<compile_context>
chip_gen: v7x
topology: tpu7x:2x2x1
jax: 0.10.2.dev20260603
libtpu: 0.0.44.dev20260713+nightly
codegen_flags: <defaults>
</compile_context>

<pallas_src>
import functools

import jax
import jax.numpy as jnp
from jax import lax
from jax.experimental import pallas as pl
from jax.experimental.pallas import tpu as pltpu
from jax.experimental.pallas import tpu_sc as plsc

_LANES = 16
_CHUNK = 4


@functools.lru_cache(maxsize=None)
def _make_gather(B, D):
    info = plsc.get_sparse_core_info()
    NC, NS = info.num_cores, info.num_subcores
    NW = NC * NS
    b_per_w = B // NW
    n_chunks = b_per_w // _CHUNK
    assert b_per_w * NW == B and n_chunks * _CHUNK == b_per_w

    mesh = plsc.VectorSubcoreMesh(core_axis_name="c", subcore_axis_name="s")

    @functools.partial(
        pl.kernel,
        mesh=mesh,
        out_type=[
            jax.ShapeDtypeStruct((B, D), jnp.float32),
            jax.ShapeDtypeStruct((B, D), jnp.float32),
        ],
        scratch_types=[
            pltpu.VMEM((b_per_w,), jnp.int32),
            pltpu.VMEM((_CHUNK, D, 128), jnp.float32),
            pltpu.VMEM((_CHUNK, D, 128), jnp.float32),
            pltpu.VMEM((2 * _CHUNK, D), jnp.float32),
            pltpu.SemaphoreType.DMA,
            pltpu.SemaphoreType.DMA,
        ],
        compiler_params=pltpu.CompilerParams(needs_layout_passes=False),
    )
    def gather_kernel(uids, iids, utabT, itabT, uout, iout,
                      ids_v, blk_a, blk_b, rows_v, sem_a, sem_b):
        wid = lax.axis_index("s") * NC + lax.axis_index("c")
        base = wid * b_per_w
        iota = lax.iota(jnp.int32, _LANES)

        for ids_hbm, tabT, out in ((uids, utabT, uout), (iids, itabT, iout)):
            pltpu.sync_copy(ids_hbm.at[pl.ds(base, b_per_w)], ids_v)

            def fire(c, blk, sem):
                idv = ids_v[pl.ds(c * _CHUNK, _LANES)]
                for q in range(_CHUNK):
                    col0 = pl.multiple_of((idv[q] >> 7) << 7, 128)
                    pltpu.async_copy(
                        tabT.at[:, pl.ds(col0, 128)], blk.at[q], sem)

            def drain_select(c, blk, sem, half):
                pltpu.make_async_copy(
                    tabT.at[:, pl.ds(0, 128)], blk, sem).wait()
                idv = ids_v[pl.ds(c * _CHUNK, _LANES)]
                for q in range(_CHUNK):
                    lane = jnp.full((_LANES,), idv[q] & 127, jnp.int32)
                    slab = jnp.full((_LANES,), q, jnp.int32)
                    for k in range(D // _LANES):
                        vals = plsc.load_gather(
                            blk, [slab, iota + k * _LANES, lane])
                        plsc.store_scatter(
                            rows_v,
                            [jnp.full((_LANES,), half * _CHUNK + q,
                                      jnp.int32),
                             iota + k * _LANES],
                            vals)

            def pair_body(p, carry):
                c0 = 2 * p
                fire(c0 + 1, blk_b, sem_b)
                drain_select(c0, blk_a, sem_a, 0)

                @pl.when(c0 + 2 < n_chunks)
                def _():
                    fire(c0 + 2, blk_a, sem_a)

                drain_select(c0 + 1, blk_b, sem_b, 1)
                pltpu.sync_copy(
                    rows_v, out.at[pl.ds(base + c0 * _CHUNK, 2 * _CHUNK)])
                return carry

            fire(0, blk_a, sem_a)
            lax.fori_loop(0, n_chunks // 2, pair_body, 0)

    return gather_kernel


def _mlp_body(eu, ei, w1u, w1i, b1, w2, b2, wp, bp, out):
    x = jnp.dot(eu[...], w1u[...], preferred_element_type=jnp.float32)
    x = x + jnp.dot(ei[...], w1i[...], preferred_element_type=jnp.float32)
    h = jnp.maximum(x + b1[...], 0.0)
    h = jnp.maximum(
        jnp.dot(h, w2[...], preferred_element_type=jnp.float32) + b2[...], 0.0)
    out[...] = jnp.sum(h * wp[...], axis=1, keepdims=True) + bp[...]


@functools.lru_cache(maxsize=None)
def _make_mlp(B, D, H1, H2, BM):
    grid = (B // BM,)
    return pl.pallas_call(
        _mlp_body,
        grid=grid,
        in_specs=[
            pl.BlockSpec((BM, D), lambda i: (i, 0)),
            pl.BlockSpec((BM, D), lambda i: (i, 0)),
            pl.BlockSpec((D, H1), lambda i: (0, 0)),
            pl.BlockSpec((D, H1), lambda i: (0, 0)),
            pl.BlockSpec((1, H1), lambda i: (0, 0)),
            pl.BlockSpec((H1, H2), lambda i: (0, 0)),
            pl.BlockSpec((1, H2), lambda i: (0, 0)),
            pl.BlockSpec((1, H2), lambda i: (0, 0)),
            pl.BlockSpec((1, 1), lambda i: (0, 0)),
        ],
        out_specs=pl.BlockSpec((BM, 1), lambda i: (i, 0)),
        out_shape=jax.ShapeDtypeStruct((B, 1), jnp.float32),
    )


def kernel(U_ids, I_ids, user_table, item_table, W1, b1, W2, b2, Wp, bp):
    B = U_ids.shape[0]
    N, D = user_table.shape
    H1, H2 = W1.shape[1], W2.shape[1]
    utabT = user_table.T
    itabT = item_table.T
    uids = U_ids.astype(jnp.int32)
    iids = I_ids.astype(jnp.int32)
    eu, ei = _make_gather(B, D)(uids, iids, utabT, itabT)
    return _make_mlp(B, D, H1, H2, 2048)(
        eu, ei, W1[:D], W1[D:], b1.reshape(1, H1), W2, b2.reshape(1, H2),
        Wp.reshape(1, H2), bp.reshape(1, 1))

# --- scband reference (transcript-rebuilt; emitter-appended) ---
"""Pipeline reference for scband-mlp-55018531062560 (READ-ONLY COPY).

The authoritative reference and input builder live on the scoring server;
editing this copy changes nothing except your own understanding.
"""

import jax, jax.numpy as jnp
import numpy as np

N_USERS = 1000000
N_ITEMS = 1000000
EMBED_DIM = 64
LAYERS = [128, 64, 32]
BATCH = 16384


def setup_inputs(seed: int = 0) -> dict:
    key = jax.random.key(seed)
    k = jax.random.split(key, 10)
    U_ids = jax.random.randint(k[0], (BATCH,), 0, N_USERS, dtype=jnp.int64) if jax.config.jax_enable_x64 else jax.random.randint(k[0], (BATCH,), 0, N_USERS, dtype=jnp.int32)
    I_ids = jax.random.randint(k[1], (BATCH,), 0, N_ITEMS, dtype=U_ids.dtype)
    user_table = jax.random.normal(k[2], (N_USERS, EMBED_DIM), dtype=jnp.float32) * 0.02
    item_table = jax.random.normal(k[3], (N_ITEMS, EMBED_DIM), dtype=jnp.float32) * 0.02
    W1 = jax.random.normal(k[4], (LAYERS[0], LAYERS[1]), dtype=jnp.float32) * (1.0 / np.sqrt(LAYERS[0]))
    b1 = jnp.zeros((LAYERS[1],), dtype=jnp.float32)
    W2 = jax.random.normal(k[5], (LAYERS[1], LAYERS[2]), dtype=jnp.float32) * (1.0 / np.sqrt(LAYERS[1]))
    b2 = jnp.zeros((LAYERS[2],), dtype=jnp.float32)
    Wp = jax.random.normal(k[6], (LAYERS[2], 1), dtype=jnp.float32) * (1.0 / np.sqrt(LAYERS[2]))
    bp = jnp.zeros((1,), dtype=jnp.float32)
    return {"U_ids": U_ids, "I_ids": I_ids, "user_table": user_table, "item_table": item_table,
            "W1": W1, "b1": b1, "W2": W2, "b2": b2, "Wp": Wp, "bp": bp}


def reference(U_ids, I_ids, user_table, item_table, W1, b1, W2, b2, Wp, bp):
    user_embeddings = jnp.take(user_table, U_ids, axis=0)
    item_embeddings = jnp.take(item_table, I_ids, axis=0)
    embeddings = jnp.concatenate([user_embeddings, item_embeddings], axis=1)
    h = jax.nn.relu(embeddings @ W1 + b1)
    h = jax.nn.relu(h @ W2 + b2)
    R = h @ Wp + bp
    return R

if __name__ == "__main__":
    import jax
    _d = setup_inputs()
    print(jax.jit(kernel)(*tuple(_d.values())))

</pallas_src>

<mosaic_0001>
#map = affine_map<(d0, d1) -> (0)>
#map1 = affine_map<(d0, d1) -> (0, 0)>
module attributes {stable_mosaic.version = 14 : i64} {
  func.func @gather_kernel(%arg0: i32, %arg1: i32, %arg2: memref<16384xi32, #tpu.memory_space<hbm>>, %arg3: memref<16384xi32, #tpu.memory_space<hbm>>, %arg4: memref<64x1000000xf32, #tpu.memory_space<hbm>>, %arg5: memref<64x1000000xf32, #tpu.memory_space<hbm>>, %arg6: memref<16384x64xf32, #tpu.memory_space<hbm>>, %arg7: memref<16384x64xf32, #tpu.memory_space<hbm>>, %arg8: memref<512xi32, #tpu.memory_space<vmem>>, %arg9: memref<4x64x128xf32, #tpu.memory_space<vmem>>, %arg10: memref<4x64x128xf32, #tpu.memory_space<vmem>>, %arg11: memref<8x64xf32, #tpu.memory_space<vmem>>, %arg12: memref<!tpu.dma_semaphore, #tpu.memory_space<semaphore_mem>>, %arg13: memref<!tpu.dma_semaphore, #tpu.memory_space<semaphore_mem>>) attributes {dimension_semantics = [#tpu.dimension_semantics<core_parallel>, #tpu.dimension_semantics<subcore_parallel>], iteration_bounds = array<i64: 2, 16>, scalar_prefetch = 0 : i64, scratch_operands = 6 : i64, tpu.core_type = #tpu.core_type<sc_vector_subcore>, window_params = [{transform_indices = #map}, {transform_indices = #map}, {transform_indices = #map1}, {transform_indices = #map1}, {transform_indices = #map1}, {transform_indices = #map1}]} {
    %mul3A = arith.constant 2 : i32
    %mul3A_0 = arith.muli %arg1, %mul3A : i32
    %add3A = arith.addi %mul3A_0, %arg0 : i32
    %mul3A_1 = arith.constant 512 : i32
    %mul3A_2 = arith.muli %add3A, %mul3A_1 : i32
    %iota3A = tpu.iota {dimensions = array<i32: 0>} : vector<16xi32>
    "tpu.region"() ({
      %run_scoped3A = tpu.sem_alloc : memref<!tpu.dma_semaphore, #tpu.memory_space<semaphore_mem>>
      %dma_start3A_171 = tpu.memref_slice %arg2[%mul3A_2] : memref<16384xi32, #tpu.memory_space<hbm>> -> memref<512xi32, #tpu.memory_space<hbm>>
      %dma_start3A_172 = tpu.memref_slice %arg2[%mul3A_2] : memref<16384xi32, #tpu.memory_space<hbm>> -> memref<512xi32, #tpu.memory_space<hbm>>
      tpu.enqueue_dma source(%dma_start3A_172 : memref<512xi32, #tpu.memory_space<hbm>>) target(%arg8 : memref<512xi32, #tpu.memory_space<vmem>>) target_semaphore(%run_scoped3A : memref<!tpu.dma_semaphore, #tpu.memory_space<semaphore_mem>>)
      %dma_wait3A = tpu.memref_slice %arg2[%mul3A_2] : memref<16384xi32, #tpu.memory_space<hbm>> -> memref<512xi32, #tpu.memory_space<hbm>>
      %dma_wait3A_173 = tpu.memref_slice %arg2[%mul3A_2] : memref<16384xi32, #tpu.memory_space<hbm>> -> memref<512xi32, #tpu.memory_space<hbm>>
      tpu.wait_dma2 semaphore(%run_scoped3A : memref<!tpu.dma_semaphore, #tpu.memory_space<semaphore_mem>>) src(%dma_wait3A_173 : memref<512xi32, #tpu.memory_space<hbm>>) dst(%arg8 : memref<512xi32, #tpu.memory_space<vmem>>)
      tpu.yield
    }) : () -> ()
    %get3A = arith.constant 0 : index
    %get3A_3 = tpu.vector_load %arg8[%get3A] {strides = array<i32>} : memref<512xi32, #tpu.memory_space<vmem>>, vector<16xi32>,
    %slice3A = vector.extract_strided_slice %get3A_3 {offsets = [0], sizes = [1], strides = [1]} : vector<16xi32> to vector<1xi32>
    %squeeze3A = vector.extract %slice3A[0] : i32 from vector<1xi32>
    %shift_right_arithmetic3A = arith.constant 7 : i32
    %shift_right_arithmetic3A_4 = arith.shrsi %squeeze3A, %shift_right_arithmetic3A : i32
    %shift_left3A = arith.constant 7 : i32
    %shift_left3A_5 = arith.shli %shift_right_arithmetic3A_4, %shift_left3A : i32
    %multiple_of3A = tpu.assume_multiple %shift_left3A_5, 128 : i32
    %dma_start3A = arith.constant 0 : i32
    %dma_start3A_6 = arith.constant 0 : i32
    %dma_start3A_7 = arith.constant 0 : i32
    %dma_start3A_8 = tpu.memref_slice %arg9[%dma_start3A, %dma_start3A_6, %dma_start3A_7] : memref<4x64x128xf32, #tpu.memory_space<vmem>> -> memref<1x64x128xf32, #tpu.memory_space<vmem>>
    %dma_start3A_9 = tpu.memref_squeeze %dma_start3A_8 : memref<1x64x128xf32, #tpu.memory_space<vmem>> -> memref<64x128xf32, #tpu.memory_space<vmem>>
    %dma_start3A_10 = arith.constant 0 : i32
    %dma_start3A_11 = tpu.memref_slice %arg4[%dma_start3A_10, %multiple_of3A] : memref<64x1000000xf32, #tpu.memory_space<hbm>> -> memref<64x128xf32, #tpu.memory_space<hbm>>
    %dma_start3A_12 = arith.constant 0 : i32
    %dma_start3A_13 = arith.constant 0 : i32
    %dma_start3A_14 = tpu.memref_slice %arg9[%dma_start3A, %dma_start3A_12, %dma_start3A_13] : memref<4x64x128xf32, #tpu.memory_space<vmem>> -> memref<1x64x128xf32, #tpu.memory_space<vmem>>
    %dma_start3A_15 = tpu.memref_squeeze %dma_start3A_14 : memref<1x64x128xf32, #tpu.memory_space<vmem>> -> memref<64x128xf32, #tpu.memory_space<vmem>>
    %dma_start3A_16 = arith.constant 0 : i32
    %dma_start3A_17 = tpu.memref_slice %arg4[%dma_start3A_16, %multiple_of3A] : memref<64x1000000xf32, #tpu.memory_space<hbm>> -> memref<64x128xf32, #tpu.memory_space<hbm>>
    tpu.enqueue_dma source(%dma_start3A_17 : memref<64x128xf32, #tpu.memory_space<hbm>>) target(%dma_start3A_15 : memref<64x128xf32, #tpu.memory_space<vmem>>) target_semaphore(%arg12 : memref<!tpu.dma_semaphore, #tpu.memory_space<semaphore_mem>>)
    %slice3A_18 = vector.extract_strided_slice %get3A_3 {offsets = [1], sizes = [1], strides = [1]} : vector<16xi32> to vector<1xi32>
    %squeeze3A_19 = vector.extract %slice3A_18[0] : i32 from vector<1xi32>
    %shift_right_arithmetic3A_20 = arith.constant 7 : i32
    %shift_right_arithmetic3A_21 = arith.shrsi %squeeze3A_19, %shift_right_arithmetic3A_20 : i32
    %shift_left3A_22 = arith.constant 7 : i32
    %shift_left3A_23 = arith.shli %shift_right_arithmetic3A_21, %shift_left3A_22 : i32
    %multiple_of3A_24 = tpu.assume_multiple %shift_left3A_23, 128 : i32
    %dma_start3A_25 = arith.constant 1 : i32
    %dma_start3A_26 = arith.constant 0 : i32
    %dma_start3A_27 = arith.constant 0 : i32
    %dma_start3A_28 = tpu.memref_slice %arg9[%dma_start3A_25, %dma_start3A_26, %dma_start3A_27] : memref<4x64x128xf32, #tpu.memory_space<vmem>> -> memref<1x64x128xf32, #tpu.memory_space<vmem>>
    %dma_start3A_29 = tpu.memref_squeeze %dma_start3A_28 : memref<1x64x128xf32, #tpu.memory_space<vmem>> -> memref<64x128xf32, #tpu.memory_space<vmem>>
    %dma_start3A_30 = arith.constant 0 : i32
    %dma_start3A_31 = tpu.memref_slice %arg4[%dma_start3A_30, %multiple_of3A_24] : memref<64x1000000xf32, #tpu.memory_space<hbm>> -> memref<64x128xf32, #tpu.memory_space<hbm>>
    %dma_start3A_32 = arith.constant 0 : i32
    %dma_start3A_33 = arith.constant 0 : i32
    %dma_start3A_34 = tpu.memref_slice %arg9[%dma_start3A_25, %dma_start3A_32, %dma_start3A_33] : memref<4x64x128xf32, #tpu.memory_space<vmem>> -> memref<1x64x128xf32, #tpu.memory_space<vmem>>
    %dma_start3A_35 = tpu.memref_squeeze %dma_start3A_34 : memref<1x64x128xf32, #tpu.memory_space<vmem>> -> memref<64x128xf32, #tpu.memory_space<vmem>>
    %dma_start3A_36 = arith.constant 0 : i32
    %dma_start3A_37 = tpu.memref_slice %arg4[%dma_start3A_36, %multiple_of3A_24] : memref<64x1000000xf32, #tpu.memory_space<hbm>> -> memref<64x128xf32, #tpu.memory_space<hbm>>
    tpu.enqueue_dma source(%dma_start3A_37 : memref<64x128xf32, #tpu.memory_space<hbm>>) target(%dma_start3A_35 : memref<64x128xf32, #tpu.memory_space<vmem>>) target_semaphore(%arg12 : memref<!tpu.dma_semaphore, #tpu.memory_space<semaphore_mem>>)
    %slice3A_38 = vector.extract_strided_slice %get3A_3 {offsets = [2], sizes = [1], strides = [1]} : vector<16xi32> to vector<1xi32>
    %squeeze3A_39 = vector.extract %slice3A_38[0] : i32 from vector<1xi32>
    %shift_right_arithmetic3A_40 = arith.constant 7 : i32
    %shift_right_arithmetic3A_41 = arith.shrsi %squeeze3A_39, %shift_right_arithmetic3A_40 : i32
    %shift_left3A_42 = arith.constant 7 : i32
    %shift_left3A_43 = arith.shli %shift_right_arithmetic3A_41, %shift_left3A_42 : i32
    %multiple_of3A_44 = tpu.assume_multiple %shift_left3A_43, 128 : i32
    %dma_start3A_45 = arith.constant 2 : i32
    %dma_start3A_46 = arith.constant 0 : i32
    %dma_start3A_47 = arith.constant 0 : i32
    %dma_start3A_48 = tpu.memref_slice %arg9[%dma_start3A_45, %dma_start3A_46, %dma_start3A_47] : memref<4x64x128xf32, #tpu.memory_space<vmem>> -> memref<1x64x128xf32, #tpu.memory_space<vmem>>
    %dma_start3A_49 = tpu.memref_squeeze %dma_start3A_48 : memref<1x64x128xf32, #tpu.memory_space<vmem>> -> memref<64x128xf32, #tpu.memory_space<vmem>>
    %dma_start3A_50 = arith.constant 0 : i32
    %dma_start3A_51 = tpu.memref_slice %arg4[%dma_start3A_50, %multiple_of3A_44] : memref<64x1000000xf32, #tpu.memory_space<hbm>> -> memref<64x128xf32, #tpu.memory_space<hbm>>
    %dma_start3A_52 = arith.constant 0 : i32
    %dma_start3A_53 = arith.constant 0 : i32
    %dma_start3A_54 = tpu.memref_slice %arg9[%dma_start3A_45, %dma_start3A_52, %dma_start3A_53] : memref<4x64x128xf32, #tpu.memory_space<vmem>> -> memref<1x64x128xf32, #tpu.memory_space<vmem>>
    %dma_start3A_55 = tpu.memref_squeeze %dma_start3A_54 : memref<1x64x128xf32, #tpu.memory_space<vmem>> -> memref<64x128xf32, #tpu.memory_space<vmem>>
    %dma_start3A_56 = arith.constant 0 : i32
    %dma_start3A_57 = tpu.memref_slice %arg4[%dma_start3A_56, %multiple_of3A_44] : memref<64x1000000xf32, #tpu.memory_space<hbm>> -> memref<64x128xf32, #tpu.memory_space<hbm>>
    tpu.enqueue_dma source(%dma_start3A_57 : memref<64x128xf32, #tpu.memory_space<hbm>>) target(%dma_start3A_55 : memref<64x128xf32, #tpu.memory_space<vmem>>) target_semaphore(%arg12 : memref<!tpu.dma_semaphore, #tpu.memory_space<semaphore_mem>>)
    %slice3A_58 = vector.extract_strided_slice %get3A_3 {offsets = [3], sizes = [1], strides = [1]} : vector<16xi32> to vector<1xi32>
    %squeeze3A_59 = vector.extract %slice3A_58[0] : i32 from vector<1xi32>
    %shift_right_arithmetic3A_60 = arith.constant 7 : i32
    %shift_right_arithmetic3A_61 = arith.shrsi %squeeze3A_59, %shift_right_arithmetic3A_60 : i32
    %shift_left3A_62 = arith.constant 7 : i32
    %shift_left3A_63 = arith.shli %shift_right_arithmetic3A_61, %shift_left3A_62 : i32
    %multiple_of3A_64 = tpu.assume_multiple %shift_left3A_63, 128 : i32
    %dma_start3A_65 = arith.constant 3 : i32
    %dma_start3A_66 = arith.constant 0 : i32
    %dma_start3A_67 = arith.constant 0 : i32
    %dma_start3A_68 = tpu.memref_slice %arg9[%dma_start3A_65, %dma_start3A_66, %dma_start3A_67] : memref<4x64x128xf32, #tpu.memory_space<vmem>> -> memref<1x64x128xf32, #tpu.memory_space<vmem>>
    %dma_start3A_69 = tpu.memref_squeeze %dma_start3A_68 : memref<1x64x128xf32, #tpu.memory_space<vmem>> -> memref<64x128xf32, #tpu.memory_space<vmem>>
    %dma_start3A_70 = arith.constant 0 : i32
    %dma_start3A_71 = tpu.memref_slice %arg4[%dma_start3A_70, %multiple_of3A_64] : memref<64x1000000xf32, #tpu.memory_space<hbm>> -> memref<64x128xf32, #tpu.memory_space<hbm>>
    %dma_start3A_72 = arith.constant 0 : i32
    %dma_start3A_73 = arith.constant 0 : i32
    %dma_start3A_74 = tpu.memref_slice %arg9[%dma_start3A_65, %dma_start3A_72, %dma_start3A_73] : memref<4x64x128xf32, #tpu.memory_space<vmem>> -> memref<1x64x128xf32, #tpu.memory_space<vmem>>
    %dma_start3A_75 = tpu.memref_squeeze %dma_start3A_74 : memref<1x64x128xf32, #tpu.memory_space<vmem>> -> memref<64x128xf32, #tpu.memory_space<vmem>>
    %dma_start3A_76 = arith.constant 0 : i32
    %dma_start3A_77 = tpu.memref_slice %arg4[%dma_start3A_76, %multiple_of3A_64] : memref<64x1000000xf32, #tpu.memory_space<hbm>> -> memref<64x128xf32, #tpu.memory_space<hbm>>
    tpu.enqueue_dma source(%dma_start3A_77 : memref<64x128xf32, #tpu.memory_space<hbm>>) target(%dma_start3A_75 : memref<64x128xf32, #tpu.memory_space<vmem>>) target_semaphore(%arg12 : memref<!tpu.dma_semaphore, #tpu.memory_space<semaphore_mem>>)
    %scan3A = arith.constant 0 : i32
    %scan3A_78 = arith.constant 0 : i32
    %scan3A_79 = arith.constant 64 : i32
    %scan3A_80 = arith.addi %scan3A_78, %scan3A_79 : i32
    %scan3A_81 = arith.constant 1 : i32
    scf.for %scan3A_171 = %scan3A_78 to %scan3A_80 step %scan3A_81  : i32 {
      %mul3A_172 = arith.constant 2 : i32
      %mul3A_173 = arith.muli %mul3A_172, %scan3A_171 : i32
      %add3A_174 = arith.constant 1 : i32
      %add3A_175 = arith.addi %mul3A_173, %add3A_174 : i32
      %mul3A_176 = arith.constant 4 : i32
      %mul3A_177 = arith.muli %add3A_175, %mul3A_176 : i32
      %get3A_178 = arith.index_cast %mul3A_177 : i32 to index
      %get3A_179 = tpu.vector_load %arg8[%get3A_178] {strides = array<i32>} : memref<512xi32, #tpu.memory_space<vmem>>, vector<16xi32>,
      %slice3A_180 = vector.extract_strided_slice %get3A_179 {offsets = [0], sizes = [1], strides = [1]} : vector<16xi32> to vector<1xi32>
      %squeeze3A_181 = vector.extract %slice3A_180[0] : i32 from vector<1xi32>
      %shift_right_arithmetic3A_182 = arith.constant 7 : i32
      %shift_right_arithmetic3A_183 = arith.shrsi %squeeze3A_181, %shift_right_arithmetic3A_182 : i32
      %shift_left3A_184 = arith.constant 7 : i32
      %shift_left3A_185 = arith.shli %shift_right_arithmetic3A_183, %shift_left3A_184 : i32
      %multiple_of3A_186 = tpu.assume_multiple %shift_left3A_185, 128 : i32
      %dma_start3A_187 = arith.constant 0 : i32
      %dma_start3A_188 = arith.constant 0 : i32
      %dma_start3A_189 = arith.constant 0 : i32
      %dma_start3A_190 = tpu.memref_slice %arg10[%dma_start3A_187, %dma_start3A_188, %dma_start3A_189] : memref<4x64x128xf32, #tpu.memory_space<vmem>> -> memref<1x64x128xf32, #tpu.memory_space<vmem>>
      %dma_start3A_191 = tpu.memref_squeeze %dma_start3A_190 : memref<1x64x128xf32, #tpu.memory_space<vmem>> -> memref<64x128xf32, #tpu.memory_space<vmem>>
      %dma_start3A_192 = arith.constant 0 : i32
      %dma_start3A_193 = tpu.memref_slice %arg4[%dma_start3A_192, %multiple_of3A_186] : memref<64x1000000xf32, #tpu.memory_space<hbm>> -> memref<64x128xf32, #tpu.memory_space<hbm>>
      %dma_start3A_194 = arith.constant 0 : i32
      %dma_start3A_195 = arith.constant 0 : i32
      %dma_start3A_196 = tpu.memref_slice %arg10[%dma_start3A_187, %dma_start3A_194, %dma_start3A_195] : memref<4x64x128xf32, #tpu.memory_space<vmem>> -> memref<1x64x128xf32, #tpu.memory_space<vmem>>
      %dma_start3A_197 = tpu.memref_squeeze %dma_start3A_196 : memref<1x64x128xf32, #tpu.memory_space<vmem>> -> memref<64x128xf32, #tpu.memory_space<vmem>>
      %dma_start3A_198 = arith.constant 0 : i32
      %dma_start3A_199 = tpu.memref_slice %arg4[%dma_start3A_198, %multiple_of3A_186] : memref<64x1000000xf32, #tpu.memory_space<hbm>> -> memref<64x128xf32, #tpu.memory_space<hbm>>
      tpu.enqueue_dma source(%dma_start3A_199 : memref<64x128xf32, #tpu.memory_space<hbm>>) target(%dma_start3A_197 : memref<64x128xf32, #tpu.memory_space<vmem>>) target_semaphore(%arg13 : memref<!tpu.dma_semaphore, #tpu.memory_space<semaphore_mem>>)
      %slice3A_200 = vector.extract_strided_slice %get3A_179 {offsets = [1], sizes = [1], strides = [1]} : vector<16xi32> to vector<1xi32>
      %squeeze3A_201 = vector.extract %slice3A_200[0] : i32 from vector<1xi32>
      %shift_right_arithmetic3A_202 = arith.constant 7 : i32
      %shift_right_arithmetic3A_203 = arith.shrsi %squeeze3A_201, %shift_right_arithmetic3A_202 : i32
      %shift_left3A_204 = arith.constant 7 : i32
      %shift_left3A_205 = arith.shli %shift_right_arithmetic3A_203, %shift_left3A_204 : i32
      %multiple_of3A_206 = tpu.assume_multiple %shift_left3A_205, 128 : i32
      %dma_start3A_207 = arith.constant 1 : i32
      %dma_start3A_208 = arith.constant 0 : i32
      %dma_start3A_209 = arith.constant 0 : i32
      %dma_start3A_210 = tpu.memref_slice %arg10[%dma_start3A_207, %dma_start3A_208, %dma_start3A_209] : memref<4x64x128xf32, #tpu.memory_space<vmem>> -> memref<1x64x128xf32, #tpu.memory_space<vmem>>
      %dma_start3A_211 = tpu.memref_squeeze %dma_start3A_210 : memref<1x64x128xf32, #tpu.memory_space<vmem>> -> memref<64x128xf32, #tpu.memory_space<vmem>>
      %dma_start3A_212 = arith.constant 0 : i32
      %dma_start3A_213 = tpu.memref_slice %arg4[%dma_start3A_212, %multiple_of3A_206] : memref<64x1000000xf32, #tpu.memory_space<hbm>> -> memref<64x128xf32, #tpu.memory_space<hbm>>
      %dma_start3A_214 = arith.constant 0 : i32
      %dma_start3A_215 = arith.constant 0 : i32
      %dma_start3A_216 = tpu.memref_slice %arg10[%dma_start3A_207, %dma_start3A_214, %dma_start3A_215] : memref<4x64x128xf32, #tpu.memory_space<vmem>> -> memref<1x64x128xf32, #tpu.memory_space<vmem>>
      %dma_start3A_217 = tpu.memref_squeeze %dma_start3A_216 : memref<1x64x128xf32, #tpu.memory_space<vmem>> -> memref<64x128xf32, #tpu.memory_space<vmem>>
      %dma_start3A_218 = arith.constant 0 : i32
      %dma_start3A_219 = tpu.memref_slice %arg4[%dma_start3A_218, %multiple_of3A_206] : memref<64x1000000xf32, #tpu.memory_space<hbm>> -> memref<64x128xf32, #tpu.memory_space<hbm>>
      tpu.enqueue_dma source(%dma_start3A_219 : memref<64x128xf32, #tpu.memory_space<hbm>>) target(%dma_start3A_217 : memref<64x128xf32, #tpu.memory_space<vmem>>) target_semaphore(%arg13 : memref<!tpu.dma_semaphore, #tpu.memory_space<semaphore_mem>>)
      %slice3A_220 = vector.extract_strided_slice %get3A_179 {offsets = [2], sizes = [1], strides = [1]} : vector<16xi32> to vector<1xi32>
      %squeeze3A_221 = vector.extract %slice3A_220[0] : i32 from vector<1xi32>
      %shift_right_arithmetic3A_222 = arith.constant 7 : i32
      %shift_right_arithmetic3A_223 = arith.shrsi %squeeze3A_221, %shift_right_arithmetic3A_222 : i32
      %shift_left3A_224 = arith.constant 7 : i32
      %shift_left3A_225 = arith.shli %shift_right_arithmetic3A_223, %shift_left3A_224 : i32
      %multiple_of3A_226 = tpu.assume_multiple %shift_left3A_225, 128 : i32
      %dma_start3A_227 = arith.constant 2 : i32
      %dma_start3A_228 = arith.constant 0 : i32
      %dma_start3A_229 = arith.constant 0 : i32
      %dma_start3A_230 = tpu.memref_slice %arg10[%dma_start3A_227, %dma_start3A_228, %dma_start3A_229] : memref<4x64x128xf32, #tpu.memory_space<vmem>> -> memref<1x64x128xf32, #tpu.memory_space<vmem>>
      %dma_start3A_231 = tpu.memref_squeeze %dma_start3A_230 : memref<1x64x128xf32, #tpu.memory_space<vmem>> -> memref<64x128xf32, #tpu.memory_space<vmem>>
      %dma_start3A_232 = arith.constant 0 : i32
      %dma_start3A_233 = tpu.memref_slice %arg4[%dma_start3A_232, %multiple_of3A_226] : memref<64x1000000xf32, #tpu.memory_space<hbm>> -> memref<64x128xf32, #tpu.memory_space<hbm>>
      %dma_start3A_234 = arith.constant 0 : i32
      %dma_start3A_235 = arith.constant 0 : i32
      %dma_start3A_236 = tpu.memref_slice %arg10[%dma_start3A_227, %dma_start3A_234, %dma_start3A_235] : memref<4x64x128xf32, #tpu.memory_space<vmem>> -> memref<1x64x128xf32, #tpu.memory_space<vmem>>
      %dma_start3A_237 = tpu.memref_squeeze %dma_start3A_236 : memref<1x64x128xf32, #tpu.memory_space<vmem>> -> memref<64x128xf32, #tpu.memory_space<vmem>>
      %dma_start3A_238 = arith.constant 0 : i32
      %dma_start3A_239 = tpu.memref_slice %arg4[%dma_start3A_238, %multiple_of3A_226] : memref<64x1000000xf32, #tpu.memory_space<hbm>> -> memref<64x128xf32, #tpu.memory_space<hbm>>
      tpu.enqueue_dma source(%dma_start3A_239 : memref<64x128xf32, #tpu.memory_space<hbm>>) target(%dma_start3A_237 : memref<64x128xf32, #tpu.memory_space<vmem>>) target_semaphore(%arg13 : memref<!tpu.dma_semaphore, #tpu.memory_space<semaphore_mem>>)
      %slice3A_240 = vector.extract_strided_slice %get3A_179 {offsets = [3], sizes = [1], strides = [1]} : vector<16xi32> to vector<1xi32>
      %squeeze3A_241 = vector.extract %slice3A_240[0] : i32 from vector<1xi32>
      %shift_right_arithmetic3A_242 = arith.constant 7 : i32
      %shift_right_arithmetic3A_243 = arith.shrsi %squeeze3A_241, %shift_right_arithmetic3A_242 : i32
      %shift_left3A_244 = arith.constant 7 : i32
      %shift_left3A_245 = arith.shli %shift_right_arithmetic3A_243, %shift_left3A_244 : i32
      %multiple_of3A_246 = tpu.assume_multiple %shift_left3A_245, 128 : i32
      %dma_start3A_247 = arith.constant 3 : i32
      %dma_start3A_248 = arith.constant 0 : i32
      %dma_start3A_249 = arith.constant 0 : i32
      %dma_start3A_250 = tpu.memref_slice %arg10[%dma_start3A_247, %dma_start3A_248, %dma_start3A_249] : memref<4x64x128xf32, #tpu.memory_space<vmem>> -> memref<1x64x128xf32, #tpu.memory_space<vmem>>
      %dma_start3A_251 = tpu.memref_squeeze %dma_start3A_250 : memref<1x64x128xf32, #tpu.memory_space<vmem>> -> memref<64x128xf32, #tpu.memory_space<vmem>>
      %dma_start3A_252 = arith.constant 0 : i32
      %dma_start3A_253 = tpu.memref_slice %arg4[%dma_start3A_252, %multiple_of3A_246] : memref<64x1000000xf32, #tpu.memory_space<hbm>> -> memref<64x128xf32, #tpu.memory_space<hbm>>
      %dma_start3A_254 = arith.constant 0 : i32
      %dma_start3A_255 = arith.constant 0 : i32
      %dma_start3A_256 = tpu.memref_slice %arg10[%dma_start3A_247, %dma_start3A_254, %dma_start3A_255] : memref<4x64x128xf32, #tpu.memory_space<vmem>> -> memref<1x64x128xf32, #tpu.memory_space<vmem>>
      %dma_start3A_257 = tpu.memref_squeeze %dma_start3A_256 : memref<1x64x128xf32, #tpu.memory_space<vmem>> -> memref<64x128xf32, #tpu.memory_space<vmem>>
      %dma_start3A_258 = arith.constant 0 : i32
      %dma_start3A_259 = tpu.memref_slice %arg4[%dma_start3A_258, %multiple_of3A_246] : memref<64x1000000xf32, #tpu.memory_space<hbm>> -> memref<64x128xf32, #tpu.memory_space<hbm>>
      tpu.enqueue_dma source(%dma_start3A_259 : memref<64x128xf32, #tpu.memory_space<hbm>>) target(%dma_start3A_257 : memref<64x128xf32, #tpu.memory_space<vmem>>) target_semaphore(%arg13 : memref<!tpu.dma_semaphore, #tpu.memory_space<semaphore_mem>>)
      %dma_wait3A = arith.constant 0 : i32
      %dma_wait3A_260 = arith.constant 0 : i32
      %dma_wait3A_261 = tpu.memref_slice %arg4[%dma_wait3A, %dma_wait3A_260] : memref<64x1000000xf32, #tpu.memory_space<hbm>> -> memref<64x128xf32, #tpu.memory_space<hbm>>
      %dma_wait3A_262 = arith.constant 0 : i32
      %dma_wait3A_263 = arith.constant 0 : i32
      %dma_wait3A_264 = tpu.memref_slice %arg4[%dma_wait3A_262, %dma_wait3A_263] : memref<64x1000000xf32, #tpu.memory_space<hbm>> -> memref<64x128xf32, #tpu.memory_space<hbm>>
      tpu.wait_dma2 semaphore(%arg12 : memref<!tpu.dma_semaphore, #tpu.memory_space<semaphore_mem>>) src(%dma_wait3A_264 : memref<64x128xf32, #tpu.memory_space<hbm>>) dst(%arg9 : memref<4x64x128xf32, #tpu.memory_space<vmem>>)
      %mul3A_265 = arith.constant 4 : i32
      %mul3A_266 = arith.muli %mul3A_173, %mul3A_265 : i32
      %get3A_267 = arith.index_cast %mul3A_266 : i32 to index
      %get3A_268 = tpu.vector_load %arg8[%get3A_267] {strides = array<i32>} : memref<512xi32, #tpu.memory_space<vmem>>, vector<16xi32>,
      %slice3A_269 = vector.extract_strided_slice %get3A_268 {offsets = [0], sizes = [1], strides = [1]} : vector<16xi32> to vector<1xi32>
      %squeeze3A_270 = vector.extract %slice3A_269[0] : i32 from vector<1xi32>
      %and3A = arith.constant 127 : i32
      %and3A_271 = arith.andi %squeeze3A_270, %and3A : i32
      %broadcast_in_dim3A = vector.broadcast %and3A_271 : i32 to vector<16xi32>
      %broadcast_in_dim3A_272 = arith.constant 0 : i32
      %broadcast_in_dim3A_273 = vector.broadcast %broadcast_in_dim3A_272 : i32 to vector<16xi32>
      %add3A_274 = arith.constant 0 : i32
      %add3A_275 = vector.broadcast %add3A_274 : i32 to vector<16xi32>
      %add3A_276 = arith.addi %iota3A, %add3A_275 : vector<16xi32>
      %gather3A = tpu.vector_load_idx %arg9[%broadcast_in_dim3A_273, %add3A_276, %broadcast_in_dim3A] : memref<4x64x128xf32, #tpu.memory_space<vmem>>[vector<16xi32>, vector<16xi32>, vector<16xi32>], vector<16xf32>,
      %broadcast_in_dim3A_277 = arith.constant 0 : i32
      %broadcast_in_dim3A_278 = vector.broadcast %broadcast_in_dim3A_277 : i32 to vector<16xi32>
      %add3A_279 = arith.constant 0 : i32
      %add3A_280 = vector.broadcast %add3A_279 : i32 to vector<16xi32>
      %add3A_281 = arith.addi %iota3A, %add3A_280 : vector<16xi32>
      tpu.vector_store_idx %arg11[%broadcast_in_dim3A_278, %add3A_281], %gather3A : memref<8x64xf32, #tpu.memory_space<vmem>>[vector<16xi32>, vector<16xi32>], vector<16xf32>,
      %add3A_282 = arith.constant 16 : i32
      %add3A_283 = vector.broadcast %add3A_282 : i32 to vector<16xi32>
      %add3A_284 = arith.addi %iota3A, %add3A_283 : vector<16xi32>
      %gather3A_285 = tpu.vector_load_idx %arg9[%broadcast_in_dim3A_273, %add3A_284, %broadcast_in_dim3A] : memref<4x64x128xf32, #tpu.memory_space<vmem>>[vector<16xi32>, vector<16xi32>, vector<16xi32>], vector<16xf32>,
      %broadcast_in_dim3A_286 = arith.constant 0 : i32
      %broadcast_in_dim3A_287 = vector.broadcast %broadcast_in_dim3A_286 : i32 to vector<16xi32>
      %add3A_288 = arith.constant 16 : i32
      %add3A_289 = vector.broadcast %add3A_288 : i32 to vector<16xi32>
      %add3A_290 = arith.addi %iota3A, %add3A_289 : vector<16xi32>
      tpu.vector_store_idx %arg11[%broadcast_in_dim3A_287, %add3A_290], %gather3A_285 : memref<8x64xf32, #tpu.memory_space<vmem>>[vector<16xi32>, vector<16xi32>], vector<16xf32>,
      %add3A_291 = arith.constant 32 : i32
      %add3A_292 = vector.broadcast %add3A_291 : i32 to vector<16xi32>
      %add3A_293 = arith.addi %iota3A, %add3A_292 : vector<16xi32>
      %gather3A_294 = tpu.vector_load_idx %arg9[%broadcast_in_dim3A_273, %add3A_293, %broadcast_in_dim3A] : memref<4x64x128xf32, #tpu.memory_space<vmem>>[vector<16xi32>, vector<16xi32>, vector<16xi32>], vector<16xf32>,
      %broadcast_in_dim3A_295 = arith.constant 0 : i32
      %broadcast_in_dim3A_296 = vector.broadcast %broadcast_in_dim3A_295 : i32 to vector<16xi32>
      %add3A_297 = arith.constant 32 : i32
      %add3A_298 = vector.broadcast %add3A_297 : i32 to vector<16xi32>
      %add3A_299 = arith.addi %iota3A, %add3A_298 : vector<16xi32>
      tpu.vector_store_idx %arg11[%broadcast_in_dim3A_296, %add3A_299], %gather3A_294 : memref<8x64xf32, #tpu.memory_space<vmem>>[vector<16xi32>, vector<16xi32>], vector<16xf32>,
      %add3A_300 = arith.constant 48 : i32
      %add3A_301 = vector.broadcast %add3A_300 : i32 to vector<16xi32>
      %add3A_302 = arith.addi %iota3A, %add3A_301 : vector<16xi32>
      %gather3A_303 = tpu.vector_load_idx %arg9[%broadcast_in_dim3A_273, %add3A_302, %broadcast_in_dim3A] : memref<4x64x128xf32, #tpu.memory_space<vmem>>[vector<16xi32>, vector<16xi32>, vector<16xi32>], vector<16xf32>,
      %broadcast_in_dim3A_304 = arith.constant 0 : i32
      %broadcast_in_dim3A_305 = vector.broadcast %broadcast_in_dim3A_304 : i32 to vector<16xi32>
      %add3A_306 = arith.constant 48 : i32
      %add3A_307 = vector.broadcast %add3A_306 : i32 to vector<16xi32>
      %add3A_308 = arith.addi %iota3A, %add3A_307 : vector<16xi32>
      tpu.vector_store_idx %arg11[%broadcast_in_dim3A_305, %add3A_308], %gather3A_303 : memref<8x64xf32, #tpu.memory_space<vmem>>[vector<16xi32>, vector<16xi32>], vector<16xf32>,
      %slice3A_309 = vector.extract_strided_slice %get3A_268 {offsets = [1], sizes = [1], strides = [1]} : vector<16xi32> to vector<1xi32>
      %squeeze3A_310 = vector.extract %slice3A_309[0] : i32 from vector<1xi32>
      %and3A_311 = arith.constant 127 : i32
      %and3A_312 = arith.andi %squeeze3A_310, %and3A_311 : i32
      %broadcast_in_dim3A_313 = vector.broadcast %and3A_312 : i32 to vector<16xi32>
      %broadcast_in_dim3A_314 = arith.constant 1 : i32
      %broadcast_in_dim3A_315 = vector.broadcast %broadcast_in_dim3A_314 : i32 to vector<16xi32>
      %add3A_316 = arith.constant 0 : i32
      %add3A_317 = vector.broadcast %add3A_316 : i32 to vector<16xi32>
      %add3A_318 = arith.addi %iota3A, %add3A_317 : vector<16xi32>
      %gather3A_319 = tpu.vector_load_idx %arg9[%broadcast_in_dim3A_315, %add3A_318, %broadcast_in_dim3A_313] : memref<4x64x128xf32, #tpu.memory_space<vmem>>[vector<16xi32>, vector<16xi32>, vector<16xi32>], vector<16xf32>,
      %broadcast_in_dim3A_320 = arith.constant 1 : i32
      %broadcast_in_dim3A_321 = vector.broadcast %broadcast_in_dim3A_320 : i32 to vector<16xi32>
      %add3A_322 = arith.constant 0 : i32
      %add3A_323 = vector.broadcast %add3A_322 : i32 to vector<16xi32>
      %add3A_324 = arith.addi %iota3A, %add3A_323 : vector<16xi32>
      tpu.vector_store_idx %arg11[%broadcast_in_dim3A_321, %add3A_324], %gather3A_319 : memref<8x64xf32, #tpu.memory_space<vmem>>[vector<16xi32>, vector<16xi32>], vector<16xf32>,
      %add3A_325 = arith.constant 16 : i32
      %add3A_326 = vector.broadcast %add3A_325 : i32 to vector<16xi32>
      %add3A_327 = arith.addi %iota3A, %add3A_326 : vector<16xi32>
      %gather3A_328 = tpu.vector_load_idx %arg9[%broadcast_in_dim3A_315, %add3A_327, %broadcast_in_dim3A_313] : memref<4x64x128xf32, #tpu.memory_space<vmem>>[vector<16xi32>, vector<16xi32>, vector<16xi32>], vector<16xf32>,
      %broadcast_in_dim3A_329 = arith.constant 1 : i32
      %broadcast_in_dim3A_330 = vector.broadcast %broadcast_in_dim3A_329 : i32 to vector<16xi32>
      %add3A_331 = arith.constant 16 : i32
      %add3A_332 = vector.broadcast %add3A_331 : i32 to vector<16xi32>
      %add3A_333 = arith.addi %iota3A, %add3A_332 : vector<16xi32>
      tpu.vector_store_idx %arg11[%broadcast_in_dim3A_330, %add3A_333], %gather3A_328 : memref<8x64xf32, #tpu.memory_space<vmem>>[vector<16xi32>, vector<16xi32>], vector<16xf32>,
      %add3A_334 = arith.constant 32 : i32
      %add3A_335 = vector.broadcast %add3A_334 : i32 to vector<16xi32>
      %add3A_336 = arith.addi %iota3A, %add3A_335 : vector<16xi32>
      %gather3A_337 = tpu.vector_load_idx %arg9[%broadcast_in_dim3A_315, %add3A_336, %broadcast_in_dim3A_313] : memref<4x64x128xf32, #tpu.memory_space<vmem>>[vector<16xi32>, vector<16xi32>, vector<16xi32>], vector<16xf32>,
      %broadcast_in_dim3A_338 = arith.constant 1 : i32
      %broadcast_in_dim3A_339 = vector.broadcast %broadcast_in_dim3A_338 : i32 to vector<16xi32>
      %add3A_340 = arith.constant 32 : i32
      %add3A_341 = vector.broadcast %add3A_340 : i32 to vector<16xi32>
      %add3A_342 = arith.addi %iota3A, %add3A_341 : vector<16xi32>
      tpu.vector_store_idx %arg11[%broadcast_in_dim3A_339, %add3A_342], %gather3A_337 : memref<8x64xf32, #tpu.memory_space<vmem>>[vector<16xi32>, vector<16xi32>], vector<16xf32>,
      %add3A_343 = arith.constant 48 : i32
      %add3A_344 = vector.broadcast %add3A_343 : i32 to vector<16xi32>
      %add3A_345 = arith.addi %iota3A, %add3A_344 : vector<16xi32>
      %gather3A_346 = tpu.vector_load_idx %arg9[%broadcast_in_dim3A_315, %add3A_345, %broadcast_in_dim3A_313] : memref<4x64x128xf32, #tpu.memory_space<vmem>>[vector<16xi32>, vector<16xi32>, vector<16xi32>], vector<16xf32>,
      %broadcast_in_dim3A_347 = arith.constant 1 : i32
      %broadcast_in_dim3A_348 = vector.broadcast %broadcast_in_dim3A_347 : i32 to vector<16xi32>
      %add3A_349 = arith.constant 48 : i32
      %add3A_350 = vector.broadcast %add3A_349 : i32 to vector<16xi32>
      %add3A_351 = arith.addi %iota3A, %add3A_350 : vector<16xi32>
      tpu.vector_store_idx %arg11[%broadcast_in_dim3A_348, %add3A_351], %gather3A_346 : memref<8x64xf32, #tpu.memory_space<vmem>>[vector<16xi32>, vector<16xi32>], vector<16xf32>,
      %slice3A_352 = vector.extract_strided_slice %get3A_268 {offsets = [2], sizes = [1], strides = [1]} : vector<16xi32> to vector<1xi32>
      %squeeze3A_353 = vector.extract %slice3A_352[0] : i32 from vector<1xi32>
      %and3A_354 = arith.constant 127 : i32
      %and3A_355 = arith.andi %squeeze3A_353, %and3A_354 : i32
      %broadcast_in_dim3A_356 = vector.broadcast %and3A_355 : i32 to vector<16xi32>
      %broadcast_in_dim3A_357 = arith.constant 2 : i32
      %broadcast_in_dim3A_358 = vector.broadcast %broadcast_in_dim3A_357 : i32 to vector<16xi32>
      %add3A_359 = arith.constant 0 : i32
      %add3A_360 = vector.broadcast %add3A_359 : i32 to vector<16xi32>
      %add3A_361 = arith.addi %iota3A, %add3A_360 : vector<16xi32>
      %gather3A_362 = tpu.vector_load_idx %arg9[%broadcast_in_dim3A_358, %add3A_361, %broadcast_in_dim3A_356] : memref<4x64x128xf32, #tpu.memory_space<vmem>>[vector<16xi32>, vector<16xi32>, vector<16xi32>], vector<16xf32>,
      %broadcast_in_dim3A_363 = arith.constant 2 : i32
      %broadcast_in_dim3A_364 = vector.broadcast %broadcast_in_dim3A_363 : i32 to vector<16xi32>
      %add3A_365 = arith.constant 0 : i32
      %add3A_366 = vector.broadcast %add3A_365 : i32 to vector<16xi32>
      %add3A_367 = arith.addi %iota3A, %add3A_366 : vector<16xi32>
      tpu.vector_store_idx %arg11[%broadcast_in_dim3A_364, %add3A_367], %gather3A_362 : memref<8x64xf32, #tpu.memory_space<vmem>>[vector<16xi32>, vector<16xi32>], vector<16xf32>,
      %add3A_368 = arith.constant 16 : i32
      %add3A_369 = vector.broadcast %add3A_368 : i32 to vector<16xi32>
      %add3A_370 = arith.addi %iota3A, %add3A_369 : vector<16xi32>
      %gather3A_371 = tpu.vector_load_idx %arg9[%broadcast_in_dim3A_358, %add3A_370, %broadcast_in_dim3A_356] : memref<4x64x128xf32, #tpu.memory_space<vmem>>[vector<16xi32>, vector<16xi32>, vector<16xi32>], vector<16xf32>,
      %broadcast_in_dim3A_372 = arith.constant 2 : i32
      %broadcast_in_dim3A_373 = vector.broadcast %broadcast_in_dim3A_372 : i32 to vector<16xi32>
      %add3A_374 = arith.constant 16 : i32
      %add3A_375 = vector.broadcast %add3A_374 : i32 to vector<16xi32>
      %add3A_376 = arith.addi %iota3A, %add3A_375 : vector<16xi32>
      tpu.vector_store_idx %arg11[%broadcast_in_dim3A_373, %add3A_376], %gather3A_371 : memref<8x64xf32, #tpu.memory_space<vmem>>[vector<16xi32>, vector<16xi32>], vector<16xf32>,
      %add3A_377 = arith.constant 32 : i32
      %add3A_378 = vector.broadcast %add3A_377 : i32 to vector<16xi32>
      %add3A_379 = arith.addi %iota3A, %add3A_378 : vector<16xi32>
      %gather3A_380 = tpu.vector_load_idx %arg9[%broadcast_in_dim3A_358, %add3A_379, %broadcast_in_dim3A_356] : memref<4x64x128xf32, #tpu.memory_space<vmem>>[vector<16xi32>, vector<16xi32>, vector<16xi32>], vector<16xf32>,
      %broadcast_in_dim3A_381 = arith.constant 2 : i32
      %broadcast_in_dim3A_382 = vector.broadcast %broadcast_in_dim3A_381 : i32 to vector<16xi32>
      %add3A_383 = arith.constant 32 : i32
      %add3A_384 = vector.broadcast %add3A_383 : i32 to vector<16xi32>
      %add3A_385 = arith.addi %iota3A, %add3A_384 : vector<16xi32>
      tpu.vector_store_idx %arg11[%broadcast_in_dim3A_382, %add3A_385], %gather3A_380 : memref<8x64xf32, #tpu.memory_space<vmem>>[vector<16xi32>, vector<16xi32>], vector<16xf32>,
      %add3A_386 = arith.constant 48 : i32
      %add3A_387 = vector.broadcast %add3A_386 : i32 to vector<16xi32>
      %add3A_388 = arith.addi %iota3A, %add3A_387 : vector<16xi32>
      %gather3A_389 = tpu.vector_load_idx %arg9[%broadcast_in_dim3A_358, %add3A_388, %broadcast_in_dim3A_356] : memref<4x64x128xf32, #tpu.memory_space<vmem>>[vector<16xi32>, vector<16xi32>, vector<16xi32>], vector<16xf32>,
      %broadcast_in_dim3A_390 = arith.constant 2 : i32
      %broadcast_in_dim3A_391 = vector.broadcast %broadcast_in_dim3A_390 : i32 to vector<16xi32>
      %add3A_392 = arith.constant 48 : i32
      %add3A_393 = vector.broadcast %add3A_392 : i32 to vector<16xi32>
      %add3A_394 = arith.addi %iota3A, %add3A_393 : vector<16xi32>
      tpu.vector_store_idx %arg11[%broadcast_in_dim3A_391, %add3A_394], %gather3A_389 : memref<8x64xf32, #tpu.memory_space<vmem>>[vector<16xi32>, vector<16xi32>], vector<16xf32>,
      %slice3A_395 = vector.extract_strided_slice %get3A_268 {offsets = [3], sizes = [1], strides = [1]} : vector<16xi32> to vector<1xi32>
      %squeeze3A_396 = vector.extract %slice3A_395[0] : i32 from vector<1xi32>
      %and3A_397 = arith.constant 127 : i32
      %and3A_398 = arith.andi %squeeze3A_396, %and3A_397 : i32
      %broadcast_in_dim3A_399 = vector.broadcast %and3A_398 : i32 to vector<16xi32>
      %broadcast_in_dim3A_400 = arith.constant 3 : i32
      %broadcast_in_dim3A_401 = vector.broadcast %broadcast_in_dim3A_400 : i32 to vector<16xi32>
      %add3A_402 = arith.constant 0 : i32
      %add3A_403 = vector.broadcast %add3A_402 : i32 to vector<16xi32>
      %add3A_404 = arith.addi %iota3A, %add3A_403 : vector<16xi32>
      %gather3A_405 = tpu.vector_load_idx %arg9[%broadcast_in_dim3A_401, %add3A_404, %broadcast_in_dim3A_399] : memref<4x64x128xf32, #tpu.memory_space<vmem>>[vector<16xi32>, vector<16xi32>, vector<16xi32>], vector<16xf32>,
      %broadcast_in_dim3A_406 = arith.constant 3 : i32
      %broadcast_in_dim3A_407 = vector.broadcast %broadcast_in_dim3A_406 : i32 to vector<16xi32>
      %add3A_408 = arith.constant 0 : i32
      %add3A_409 = vector.broadcast %add3A_408 : i32 to vector<16xi32>
      %add3A_410 = arith.addi %iota3A, %add3A_409 : vector<16xi32>
      tpu.vector_store_idx %arg11[%broadcast_in_dim3A_407, %add3A_410], %gather3A_405 : memref<8x64xf32, #tpu.memory_space<vmem>>[vector<16xi32>, vector<16xi32>], vector<16xf32>,
      %add3A_411 = arith.constant 16 : i32
      %add3A_412 = vector.broadcast %add3A_411 : i32 to vector<16xi32>
      %add3A_413 = arith.addi %iota3A, %add3A_412 : vector<16xi32>
      %gather3A_414 = tpu.vector_load_idx %arg9[%broadcast_in_dim3A_401, %add3A_413, %broadcast_in_dim3A_399] : memref<4x64x128xf32, #tpu.memory_space<vmem>>[vector<16xi32>, vector<16xi32>, vector<16xi32>], vector<16xf32>,
      %broadcast_in_dim3A_415 = arith.constant 3 : i32
      %broadcast_in_dim3A_416 = vector.broadcast %broadcast_in_dim3A_415 : i32 to vector<16xi32>
      %add3A_417 = arith.constant 16 : i32
      %add3A_418 = vector.broadcast %add3A_417 : i32 to vector<16xi32>
      %add3A_419 = arith.addi %iota3A, %add3A_418 : vector<16xi32>
      tpu.vector_store_idx %arg11[%broadcast_in_dim3A_416, %add3A_419], %gather3A_414 : memref<8x64xf32, #tpu.memory_space<vmem>>[vector<16xi32>, vector<16xi32>], vector<16xf32>,
      %add3A_420 = arith.constant 32 : i32
      %add3A_421 = vector.broadcast %add3A_420 : i32 to vector<16xi32>
      %add3A_422 = arith.addi %iota3A, %add3A_421 : vector<16xi32>
      %gather3A_423 = tpu.vector_load_idx %arg9[%broadcast_in_dim3A_401, %add3A_422, %broadcast_in_dim3A_399] : memref<4x64x128xf32, #tpu.memory_space<vmem>>[vector<16xi32>, vector<16xi32>, vector<16xi32>], vector<16xf32>,
      %broadcast_in_dim3A_424 = arith.constant 3 : i32
      %broadcast_in_dim3A_425 = vector.broadcast %broadcast_in_dim3A_424 : i32 to vector<16xi32>
      %add3A_426 = arith.constant 32 : i32
      %add3A_427 = vector.broadcast %add3A_426 : i32 to vector<16xi32>
      %add3A_428 = arith.addi %iota3A, %add3A_427 : vector<16xi32>
      tpu.vector_store_idx %arg11[%broadcast_in_dim3A_425, %add3A_428], %gather3A_423 : memref<8x64xf32, #tpu.memory_space<vmem>>[vector<16xi32>, vector<16xi32>], vector<16xf32>,
      %add3A_429 = arith.constant 48 : i32
      %add3A_430 = vector.broadcast %add3A_429 : i32 to vector<16xi32>
      %add3A_431 = arith.addi %iota3A, %add3A_430 : vector<16xi32>
      %gather3A_432 = tpu.vector_load_idx %arg9[%broadcast_in_dim3A_401, %add3A_431, %broadcast_in_dim3A_399] : memref<4x64x128xf32, #tpu.memory_space<vmem>>[vector<16xi32>, vector<16xi32>, vector<16xi32>], vector<16xf32>,
      %broadcast_in_dim3A_433 = arith.constant 3 : i32
      %broadcast_in_dim3A_434 = vector.broadcast %broadcast_in_dim3A_433 : i32 to vector<16xi32>
      %add3A_435 = arith.constant 48 : i32
      %add3A_436 = vector.broadcast %add3A_435 : i32 to vector<16xi32>
      %add3A_437 = arith.addi %iota3A, %add3A_436 : vector<16xi32>
      tpu.vector_store_idx %arg11[%broadcast_in_dim3A_434, %add3A_437], %gather3A_432 : memref<8x64xf32, #tpu.memory_space<vmem>>[vector<16xi32>, vector<16xi32>], vector<16xf32>,
      %add3A_438 = arith.constant 2 : i32
      %add3A_439 = arith.addi %mul3A_173, %add3A_438 : i32
      %lt3A = arith.constant 128 : i32
      %lt3A_440 = arith.cmpi slt, %add3A_439, %lt3A : i32
      %convert_element_type3A = arith.extui %lt3A_440 : i1 to i32
      %cond3A = arith.constant 0 : i32
      %cond3A_441 = arith.cmpi ne, %convert_element_type3A, %cond3A : i32
      scf.if %cond3A_441 {
        %add3A_629 = arith.constant 2 : i32
        %add3A_630 = arith.addi %mul3A_173, %add3A_629 : i32
        %mul3A_631 = arith.constant 4 : i32
        %mul3A_632 = arith.muli %add3A_630, %mul3A_631 : i32
        %get3A_633 = arith.index_cast %mul3A_632 : i32 to index
        %get3A_634 = tpu.vector_load %arg8[%get3A_633] {strides = array<i32>} : memref<512xi32, #tpu.memory_space<vmem>>, vector<16xi32>,
        %slice3A_635 = vector.extract_strided_slice %get3A_634 {offsets = [0], sizes = [1], strides = [1]} : vector<16xi32> to vector<1xi32>
        %squeeze3A_636 = vector.extract %slice3A_635[0] : i32 from vector<1xi32>
        %shift_right_arithmetic3A_637 = arith.constant 7 : i32
        %shift_right_arithmetic3A_638 = arith.shrsi %squeeze3A_636, %shift_right_arithmetic3A_637 : i32
        %shift_left3A_639 = arith.constant 7 : i32
        %shift_left3A_640 = arith.shli %shift_right_arithmetic3A_638, %shift_left3A_639 : i32
        %multiple_of3A_641 = tpu.assume_multiple %shift_left3A_640, 128 : i32
        %dma_start3A_642 = arith.constant 0 : i32
        %dma_start3A_643 = arith.constant 0 : i32
        %dma_start3A_644 = arith.constant 0 : i32
        %dma_start3A_645 = tpu.memref_slice %arg9[%dma_start3A_642, %dma_start3A_643, %dma_start3A_644] : memref<4x64x128xf32, #tpu.memory_space<vmem>> -> memref<1x64x128xf32, #tpu.memory_space<vmem>>
        %dma_start3A_646 = tpu.memref_squeeze %dma_start3A_645 : memref<1x64x128xf32, #tpu.memory_space<vmem>> -> memref<64x128xf32, #tpu.memory_space<vmem>>
        %dma_start3A_647 = arith.constant 0 : i32
        %dma_start3A_648 = tpu.memref_slice %arg4[%dma_start3A_647, %multiple_of3A_641] : memref<64x1000000xf32, #tpu.memory_space<hbm>> -> memref<64x128xf32, #tpu.memory_space<hbm>>
        %dma_start3A_649 = arith.constant 0 : i32
        %dma_start3A_650 = arith.constant 0 : i32
        %dma_start3A_651 = tpu.memref_slice %arg9[%dma_start3A_642, %dma_start3A_649, %dma_start3A_650] : memref<4x64x128xf32, #tpu.memory_space<vmem>> -> memref<1x64x128xf32, #tpu.memory_space<vmem>>
        %dma_start3A_652 = tpu.memref_squeeze %dma_start3A_651 : memref<1x64x128xf32, #tpu.memory_space<vmem>> -> memref<64x128xf32, #tpu.memory_space<vmem>>
        %dma_start3A_653 = arith.constant 0 : i32
        %dma_start3A_654 = tpu.memref_slice %arg4[%dma_start3A_653, %multiple_of3A_641] : memref<64x1000000xf32, #tpu.memory_space<hbm>> -> memref<64x128xf32, #tpu.memory_space<hbm>>
        tpu.enqueue_dma source(%dma_start3A_654 : memref<64x128xf32, #tpu.memory_space<hbm>>) target(%dma_start3A_652 : memref<64x128xf32, #tpu.memory_space<vmem>>) target_semaphore(%arg12 : memref<!tpu.dma_semaphore, #tpu.memory_space<semaphore_mem>>)
        %slice3A_655 = vector.extract_strided_slice %get3A_634 {offsets = [1], sizes = [1], strides = [1]} : vector<16xi32> to vector<1xi32>
        %squeeze3A_656 = vector.extract %slice3A_655[0] : i32 from vector<1xi32>
        %shift_right_arithmetic3A_657 = arith.constant 7 : i32
        %shift_right_arithmetic3A_658 = arith.shrsi %squeeze3A_656, %shift_right_arithmetic3A_657 : i32
        %shift_left3A_659 = arith.constant 7 : i32
        %shift_left3A_660 = arith.shli %shift_right_arithmetic3A_658, %shift_left3A_659 : i32
        %multiple_of3A_661 = tpu.assume_multiple %shift_left3A_660, 128 : i32
        %dma_start3A_662 = arith.constant 1 : i32
        %dma_start3A_663 = arith.constant 0 : i32
        %dma_start3A_664 = arith.constant 0 : i32
        %dma_start3A_665 = tpu.memref_slice %arg9[%dma_start3A_662, %dma_start3A_663, %dma_start3A_664] : memref<4x64x128xf32, #tpu.memory_space<vmem>> -> memref<1x64x128xf32, #tpu.memory_space<vmem>>
        %dma_start3A_666 = tpu.memref_squeeze %dma_start3A_665 : memref<1x64x128xf32, #tpu.memory_space<vmem>> -> memref<64x128xf32, #tpu.memory_space<vmem>>
        %dma_start3A_667 = arith.constant 0 : i32
        %dma_start3A_668 = tpu.memref_slice %arg4[%dma_start3A_667, %multiple_of3A_661] : memref<64x1000000xf32, #tpu.memory_space<hbm>> -> memref<64x128xf32, #tpu.memory_space<hbm>>
        %dma_start3A_669 = arith.constant 0 : i32
        %dma_start3A_670 = arith.constant 0 : i32
        %dma_start3A_671 = tpu.memref_slice %arg9[%dma_start3A_662, %dma_start3A_669, %dma_start3A_670] : memref<4x64x128xf32, #tpu.memory_space<vmem>> -> memref<1x64x128xf32, #tpu.memory_space<vmem>>
        %dma_start3A_672 = tpu.memref_squeeze %dma_start3A_671 : memref<1x64x128xf32, #tpu.memory_space<vmem>> -> memref<64x128xf32, #tpu.memory_space<vmem>>
        %dma_start3A_673 = arith.constant 0 : i32
        %dma_start3A_674 = tpu.memref_slice %arg4[%dma_start3A_673, %multiple_of3A_661] : memref<64x1000000xf32, #tpu.memory_space<hbm>> -> memref<64x128xf32, #tpu.memory_space<hbm>>
        tpu.enqueue_dma source(%dma_start3A_674 : memref<64x128xf32, #tpu.memory_space<hbm>>) target(%dma_start3A_672 : memref<64x128xf32, #tpu.memory_space<vmem>>) target_semaphore(%arg12 : memref<!tpu.dma_semaphore, #tpu.memory_space<semaphore_mem>>)
        %slice3A_675 = vector.extract_strided_slice %get3A_634 {offsets = [2], sizes = [1], strides = [1]} : vector<16xi32> to vector<1xi32>
        %squeeze3A_676 = vector.extract %slice3A_675[0] : i32 from vector<1xi32>
        %shift_right_arithmetic3A_677 = arith.constant 7 : i32
        %shift_right_arithmetic3A_678 = arith.shrsi %squeeze3A_676, %shift_right_arithmetic3A_677 : i32
        %shift_left3A_679 = arith.constant 7 : i32
        %shift_left3A_680 = arith.shli %shift_right_arithmetic3A_678, %shift_left3A_679 : i32
        %multiple_of3A_681 = tpu.assume_multiple %shift_left3A_680, 128 : i32
        %dma_start3A_682 = arith.constant 2 : i32
        %dma_start3A_683 = arith.constant 0 : i32
        %dma_start3A_684 = arith.constant 0 : i32
        %dma_start3A_685 = tpu.memref_slice %arg9[%dma_start3A_682, %dma_start3A_683, %dma_start3A_684] : memref<4x64x128xf32, #tpu.memory_space<vmem>> -> memref<1x64x128xf32, #tpu.memory_space<vmem>>
        %dma_start3A_686 = tpu.memref_squeeze %dma_start3A_685 : memref<1x64x128xf32, #tpu.memory_space<vmem>> -> memref<64x128xf32, #tpu.memory_space<vmem>>
        %dma_start3A_687 = arith.constant 0 : i32
        %dma_start3A_688 = tpu.memref_slice %arg4[%dma_start3A_687, %multiple_of3A_681] : memref<64x1000000xf32, #tpu.memory_space<hbm>> -> memref<64x128xf32, #tpu.memory_space<hbm>>
        %dma_start3A_689 = arith.constant 0 : i32
        %dma_start3A_690 = arith.constant 0 : i32
        %dma_start3A_691 = tpu.memref_slice %arg9[%dma_start3A_682, %dma_start3A_689, %dma_start3A_690] : memref<4x64x128xf32, #tpu.memory_space<vmem>> -> memref<1x64x128xf32, #tpu.memory_space<vmem>>
        %dma_start3A_692 = tpu.memref_squeeze %dma_start3A_691 : memref<1x64x128xf32, #tpu.memory_space<vmem>> -> memref<64x128xf32, #tpu.memory_space<vmem>>
        %dma_start3A_693 = arith.constant 0 : i32
        %dma_start3A_694 = tpu.memref_slice %arg4[%dma_start3A_693, %multiple_of3A_681] : memref<64x1000000xf32, #tpu.memory_space<hbm>> -> memref<64x128xf32, #tpu.memory_space<hbm>>
        tpu.enqueue_dma source(%dma_start3A_694 : memref<64x128xf32, #tpu.memory_space<hbm>>) target(%dma_start3A_692 : memref<64x128xf32, #tpu.memory_space<vmem>>) target_semaphore(%arg12 : memref<!tpu.dma_semaphore, #tpu.memory_space<semaphore_mem>>)
        %slice3A_695 = vector.extract_strided_slice %get3A_634 {offsets = [3], sizes = [1], strides = [1]} : vector<16xi32> to vector<1xi32>
        %squeeze3A_696 = vector.extract %slice3A_695[0] : i32 from vector<1xi32>
        %shift_right_arithmetic3A_697 = arith.constant 7 : i32
        %shift_right_arithmetic3A_698 = arith.shrsi %squeeze3A_696, %shift_right_arithmetic3A_697 : i32
        %shift_left3A_699 = arith.constant 7 : i32
        %shift_left3A_700 = arith.shli %shift_right_arithmetic3A_698, %shift_left3A_699 : i32
        %multiple_of3A_701 = tpu.assume_multiple %shift_left3A_700, 128 : i32
        %dma_start3A_702 = arith.constant 3 : i32
        %dma_start3A_703 = arith.constant 0 : i32
        %dma_start3A_704 = arith.constant 0 : i32
        %dma_start3A_705 = tpu.memref_slice %arg9[%dma_start3A_702, %dma_start3A_703, %dma_start3A_704] : memref<4x64x128xf32, #tpu.memory_space<vmem>> -> memref<1x64x128xf32, #tpu.memory_space<vmem>>
        %dma_start3A_706 = tpu.memref_squeeze %dma_start3A_705 : memref<1x64x128xf32, #tpu.memory_space<vmem>> -> memref<64x128xf32, #tpu.memory_space<vmem>>
        %dma_start3A_707 = arith.constant 0 : i32
        %dma_start3A_708 = tpu.memref_slice %arg4[%dma_start3A_707, %multiple_of3A_701] : memref<64x1000000xf32, #tpu.memory_space<hbm>> -> memref<64x128xf32, #tpu.memory_space<hbm>>
        %dma_start3A_709 = arith.constant 0 : i32
        %dma_start3A_710 = arith.constant 0 : i32
        %dma_start3A_711 = tpu.memref_slice %arg9[%dma_start3A_702, %dma_start3A_709, %dma_start3A_710] : memref<4x64x128xf32, #tpu.memory_space<vmem>> -> memref<1x64x128xf32, #tpu.memory_space<vmem>>
        %dma_start3A_712 = tpu.memref_squeeze %dma_start3A_711 : memref<1x64x128xf32, #tpu.memory_space<vmem>> -> memref<64x128xf32, #tpu.memory_space<vmem>>
        %dma_start3A_713 = arith.constant 0 : i32
        %dma_start3A_714 = tpu.memref_slice %arg4[%dma_start3A_713, %multiple_of3A_701] : memref<64x1000000xf32, #tpu.memory_space<hbm>> -> memref<64x128xf32, #tpu.memory_space<hbm>>
        tpu.enqueue_dma source(%dma_start3A_714 : memref<64x128xf32, #tpu.memory_space<hbm>>) target(%dma_start3A_712 : memref<64x128xf32, #tpu.memory_space<vmem>>) target_semaphore(%arg12 : memref<!tpu.dma_semaphore, #tpu.memory_space<semaphore_mem>>)
      } else {
      }
      %add3A_442 = arith.constant 1 : i32
      %add3A_443 = arith.addi %mul3A_173, %add3A_442 : i32
      %dma_wait3A_444 = arith.constant 0 : i32
      %dma_wait3A_445 = arith.constant 0 : i32
      %dma_wait3A_446 = tpu.memref_slice %arg4[%dma_wait3A_444, %dma_wait3A_445] : memref<64x1000000xf32, #tpu.memory_space<hbm>> -> memref<64x128xf32, #tpu.memory_space<hbm>>
      %dma_wait3A_447 = arith.constant 0 : i32
      %dma_wait3A_448 = arith.constant 0 : i32
      %dma_wait3A_449 = tpu.memref_slice %arg4[%dma_wait3A_447, %dma_wait3A_448] : memref<64x1000000xf32, #tpu.memory_space<hbm>> -> memref<64x128xf32, #tpu.memory_space<hbm>>
      tpu.wait_dma2 semaphore(%arg13 : memref<!tpu.dma_semaphore, #tpu.memory_space<semaphore_mem>>) src(%dma_wait3A_449 : memref<64x128xf32, #tpu.memory_space<hbm>>) dst(%arg10 : memref<4x64x128xf32, #tpu.memory_space<vmem>>)
      %mul3A_450 = arith.constant 4 : i32
      %mul3A_451 = arith.muli %add3A_443, %mul3A_450 : i32
      %get3A_452 = arith.index_cast %mul3A_451 : i32 to index
      %get3A_453 = tpu.vector_load %arg8[%get3A_452] {strides = array<i32>} : memref<512xi32, #tpu.memory_space<vmem>>, vector<16xi32>,
      %slice3A_454 = vector.extract_strided_slice %get3A_453 {offsets = [0], sizes = [1], strides = [1]} : vector<16xi32> to vector<1xi32>
      %squeeze3A_455 = vector.extract %slice3A_454[0] : i32 from vector<1xi32>
      %and3A_456 = arith.constant 127 : i32
      %and3A_457 = arith.andi %squeeze3A_455, %and3A_456 : i32
      %broadcast_in_dim3A_458 = vector.broadcast %and3A_457 : i32 to vector<16xi32>
      %broadcast_in_dim3A_459 = arith.constant 0 : i32
      %broadcast_in_dim3A_460 = vector.broadcast %broadcast_in_dim3A_459 : i32 to vector<16xi32>
      %add3A_461 = arith.constant 0 : i32
      %add3A_462 = vector.broadcast %add3A_461 : i32 to vector<16xi32>
      %add3A_463 = arith.addi %iota3A, %add3A_462 : vector<16xi32>
      %gather3A_464 = tpu.vector_load_idx %arg10[%broadcast_in_dim3A_460, %add3A_463, %broadcast_in_dim3A_458] : memref<4x64x128xf32, #tpu.memory_space<vmem>>[vector<16xi32>, vector<16xi32>, vector<16xi32>], vector<16xf32>,
      %broadcast_in_dim3A_465 = arith.constant 4 : i32
      %broadcast_in_dim3A_466 = vector.broadcast %broadcast_in_dim3A_465 : i32 to vector<16xi32>
      %add3A_467 = arith.constant 0 : i32
      %add3A_468 = vector.broadcast %add3A_467 : i32 to vector<16xi32>
      %add3A_469 = arith.addi %iota3A, %add3A_468 : vector<16xi32>
      tpu.vector_store_idx %arg11[%broadcast_in_dim3A_466, %add3A_469], %gather3A_464 : memref<8x64xf32, #tpu.memory_space<vmem>>[vector<16xi32>, vector<16xi32>], vector<16xf32>,
      %add3A_470 = arith.constant 16 : i32
      %add3A_471 = vector.broadcast %add3A_470 : i32 to vector<16xi32>
      %add3A_472 = arith.addi %iota3A, %add3A_471 : vector<16xi32>
      %gather3A_473 = tpu.vector_load_idx %arg10[%broadcast_in_dim3A_460, %add3A_472, %broadcast_in_dim3A_458] : memref<4x64x128xf32, #tpu.memory_space<vmem>>[vector<16xi32>, vector<16xi32>, vector<16xi32>], vector<16xf32>,
      %broadcast_in_dim3A_474 = arith.constant 4 : i32
      %broadcast_in_dim3A_475 = vector.broadcast %broadcast_in_dim3A_474 : i32 to vector<16xi32>
      %add3A_476 = arith.constant 16 : i32
      %add3A_477 = vector.broadcast %add3A_476 : i32 to vector<16xi32>
      %add3A_478 = arith.addi %iota3A, %add3A_477 : vector<16xi32>
      tpu.vector_store_idx %arg11[%broadcast_in_dim3A_475, %add3A_478], %gather3A_473 : memref<8x64xf32, #tpu.memory_space<vmem>>[vector<16xi32>, vector<16xi32>], vector<16xf32>,
      %add3A_479 = arith.constant 32 : i32
      %add3A_480 = vector.broadcast %add3A_479 : i32 to vector<16xi32>
      %add3A_481 = arith.addi %iota3A, %add3A_480 : vector<16xi32>
      %gather3A_482 = tpu.vector_load_idx %arg10[%broadcast_in_dim3A_460, %add3A_481, %broadcast_in_dim3A_458] : memref<4x64x128xf32, #tpu.memory_space<vmem>>[vector<16xi32>, vector<16xi32>, vector<16xi32>], vector<16xf32>,
      %broadcast_in_dim3A_483 = arith.constant 4 : i32
      %broadcast_in_dim3A_484 = vector.broadcast %broadcast_in_dim3A_483 : i32 to vector<16xi32>
      %add3A_485 = arith.constant 32 : i32
      %add3A_486 = vector.broadcast %add3A_485 : i32 to vector<16xi32>
      %add3A_487 = arith.addi %iota3A, %add3A_486 : vector<16xi32>
      tpu.vector_store_idx %arg11[%broadcast_in_dim3A_484, %add3A_487], %gather3A_482 : memref<8x64xf32, #tpu.memory_space<vmem>>[vector<16xi32>, vector<16xi32>], vector<16xf32>,
      %add3A_488 = arith.constant 48 : i32
      %add3A_489 = vector.broadcast %add3A_488 : i32 to vector<16xi32>
      %add3A_490 = arith.addi %iota3A, %add3A_489 : vector<16xi32>
      %gather3A_491 = tpu.vector_load_idx %arg10[%broadcast_in_dim3A_460, %add3A_490, %broadcast_in_dim3A_458] : memref<4x64x128xf32, #tpu.memory_space<vmem>>[vector<16xi32>, vector<16xi32>, vector<16xi32>], vector<16xf32>,
      %broadcast_in_dim3A_492 = arith.constant 4 : i32
      %broadcast_in_dim3A_493 = vector.broadcast %broadcast_in_dim3A_492 : i32 to vector<16xi32>
      %add3A_494 = arith.constant 48 : i32
      %add3A_495 = vector.broadcast %add3A_494 : i32 to vector<16xi32>
      %add3A_496 = arith.addi %iota3A, %add3A_495 : vector<16xi32>
      tpu.vector_store_idx %arg11[%broadcast_in_dim3A_493, %add3A_496], %gather3A_491 : memref<8x64xf32, #tpu.memory_space<vmem>>[vector<16xi32>, vector<16xi32>], vector<16xf32>,
      %slice3A_497 = vector.extract_strided_slice %get3A_453 {offsets = [1], sizes = [1], strides = [1]} : vector<16xi32> to vector<1xi32>
      %squeeze3A_498 = vector.extract %slice3A_497[0] : i32 from vector<1xi32>
      %and3A_499 = arith.constant 127 : i32
      %and3A_500 = arith.andi %squeeze3A_498, %and3A_499 : i32
      %broadcast_in_dim3A_501 = vector.broadcast %and3A_500 : i32 to vector<16xi32>
      %broadcast_in_dim3A_502 = arith.constant 1 : i32
      %broadcast_in_dim3A_503 = vector.broadcast %broadcast_in_dim3A_502 : i32 to vector<16xi32>
      %add3A_504 = arith.constant 0 : i32
      %add3A_505 = vector.broadcast %add3A_504 : i32 to vector<16xi32>
      %add3A_506 = arith.addi %iota3A, %add3A_505 : vector<16xi32>
      %gather3A_507 = tpu.vector_load_idx %arg10[%broadcast_in_dim3A_503, %add3A_506, %broadcast_in_dim3A_501] : memref<4x64x128xf32, #tpu.memory_space<vmem>>[vector<16xi32>, vector<16xi32>, vector<16xi32>], vector<16xf32>,
      %broadcast_in_dim3A_508 = arith.constant 5 : i32
      %broadcast_in_dim3A_509 = vector.broadcast %broadcast_in_dim3A_508 : i32 to vector<16xi32>
      %add3A_510 = arith.constant 0 : i32
      %add3A_511 = vector.broadcast %add3A_510 : i32 to vector<16xi32>
      %add3A_512 = arith.addi %iota3A, %add3A_511 : vector<16xi32>
      tpu.vector_store_idx %arg11[%broadcast_in_dim3A_509, %add3A_512], %gather3A_507 : memref<8x64xf32, #tpu.memory_space<vmem>>[vector<16xi32>, vector<16xi32>], vector<16xf32>,
      %add3A_513 = arith.constant 16 : i32
      %add3A_514 = vector.broadcast %add3A_513 : i32 to vector<16xi32>
      %add3A_515 = arith.addi %iota3A, %add3A_514 : vector<16xi32>
      %gather3A_516 = tpu.vector_load_idx %arg10[%broadcast_in_dim3A_503, %add3A_515, %broadcast_in_dim3A_501] : memref<4x64x128xf32, #tpu.memory_space<vmem>>[vector<16xi32>, vector<16xi32>, vector<16xi32>], vector<16xf32>,
      %broadcast_in_dim3A_517 = arith.constant 5 : i32
      %broadcast_in_dim3A_518 = vector.broadcast %broadcast_in_dim3A_517 : i32 to vector<16xi32>
      %add3A_519 = arith.constant 16 : i32
      %add3A_520 = vector.broadcast %add3A_519 : i32 to vector<16xi32>
      %add3A_521 = arith.addi %iota3A, %add3A_520 : vector<16xi32>
      tpu.vector_store_idx %arg11[%broadcast_in_dim3A_518, %add3A_521], %gather3A_516 : memref<8x64xf32, #tpu.memory_space<vmem>>[vector<16xi32>, vector<16xi32>], vector<16xf32>,
      %add3A_522 = arith.constant 32 : i32
      %add3A_523 = vector.broadcast %add3A_522 : i32 to vector<16xi32>
      %add3A_524 = arith.addi %iota3A, %add3A_523 : vector<16xi32>
      %gather3A_525 = tpu.vector_load_idx %arg10[%broadcast_in_dim3A_503, %add3A_524, %broadcast_in_dim3A_501] : memref<4x64x128xf32, #tpu.memory_space<vmem>>[vector<16xi32>, vector<16xi32>, vector<16xi32>], vector<16xf32>,
      %broadcast_in_dim3A_526 = arith.constant 5 : i32
      %broadcast_in_dim3A_527 = vector.broadcast %broadcast_in_dim3A_526 : i32 to vector<16xi32>
      %add3A_528 = arith.constant 32 : i32
      %add3A_529 = vector.broadcast %add3A_528 : i32 to vector<16xi32>
      %add3A_530 = arith.addi %iota3A, %add3A_529 : vector<16xi32>
      tpu.vector_store_idx %arg11[%broadcast_in_dim3A_527, %add3A_530], %gather3A_525 : memref<8x64xf32, #tpu.memory_space<vmem>>[vector<16xi32>, vector<16xi32>], vector<16xf32>,
      %add3A_531 = arith.constant 48 : i32
      %add3A_532 = vector.broadcast %add3A_531 : i32 to vector<16xi32>
      %add3A_533 = arith.addi %iota3A, %add3A_532 : vector<16xi32>
      %gather3A_534 = tpu.vector_load_idx %arg10[%broadcast_in_dim3A_503, %add3A_533, %broadcast_in_dim3A_501] : memref<4x64x128xf32, #tpu.memory_space<vmem>>[vector<16xi32>, vector<16xi32>, vector<16xi32>], vector<16xf32>,
      %broadcast_in_dim3A_535 = arith.constant 5 : i32
      %broadcast_in_dim3A_536 = vector.broadcast %broadcast_in_dim3A_535 : i32 to vector<16xi32>
      %add3A_537 = arith.constant 48 : i32
      %add3A_538 = vector.broadcast %add3A_537 : i32 to vector<16xi32>
      %add3A_539 = arith.addi %iota3A, %add3A_538 : vector<16xi32>
      tpu.vector_store_idx %arg11[%broadcast_in_dim3A_536, %add3A_539], %gather3A_534 : memref<8x64xf32, #tpu.memory_space<vmem>>[vector<16xi32>, vector<16xi32>], vector<16xf32>,
      %slice3A_540 = vector.extract_strided_slice %get3A_453 {offsets = [2], sizes = [1], strides = [1]} : vector<16xi32> to vector<1xi32>
      %squeeze3A_541 = vector.extract %slice3A_540[0] : i32 from vector<1xi32>
      %and3A_542 = arith.constant 127 : i32
      %and3A_543 = arith.andi %squeeze3A_541, %and3A_542 : i32
      %broadcast_in_dim3A_544 = vector.broadcast %and3A_543 : i32 to vector<16xi32>
      %broadcast_in_dim3A_545 = arith.constant 2 : i32
      %broadcast_in_dim3A_546 = vector.broadcast %broadcast_in_dim3A_545 : i32 to vector<16xi32>
      %add3A_547 = arith.constant 0 : i32
      %add3A_548 = vector.broadcast %add3A_547 : i32 to vector<16xi32>
      %add3A_549 = arith.addi %iota3A, %add3A_548 : vector<16xi32>
      %gather3A_550 = tpu.vector_load_idx %arg10[%broadcast_in_dim3A_546, %add3A_549, %broadcast_in_dim3A_544] : memref<4x64x128xf32, #tpu.memory_space<vmem>>[vector<16xi32>, vector<16xi32>, vector<16xi32>], vector<16xf32>,
      %broadcast_in_dim3A_551 = arith.constant 6 : i32
      %broadcast_in_dim3A_552 = vector.broadcast %broadcast_in_dim3A_551 : i32 to vector<16xi32>
      %add3A_553 = arith.constant 0 : i32
      %add3A_554 = vector.broadcast %add3A_553 : i32 to vector<16xi32>
      %add3A_555 = arith.addi %iota3A, %add3A_554 : vector<16xi32>
      tpu.vector_store_idx %arg11[%broadcast_in_dim3A_552, %add3A_555], %gather3A_550 : memref<8x64xf32, #tpu.memory_space<vmem>>[vector<16xi32>, vector<16xi32>], vector<16xf32>,
      %add3A_556 = arith.constant 16 : i32
      %add3A_557 = vector.broadcast %add3A_556 : i32 to vector<16xi32>
      %add3A_558 = arith.addi %iota3A, %add3A_557 : vector<16xi32>
      %gather3A_559 = tpu.vector_load_idx %arg10[%broadcast_in_dim3A_546, %add3A_558, %broadcast_in_dim3A_544] : memref<4x64x128xf32, #tpu.memory_space<vmem>>[vector<16xi32>, vector<16xi32>, vector<16xi32>], vector<16xf32>,
      %broadcast_in_dim3A_560 = arith.constant 6 : i32
      %broadcast_in_dim3A_561 = vector.broadcast %broadcast_in_dim3A_560 : i32 to vector<16xi32>
      %add3A_562 = arith.constant 16 : i32
      %add3A_563 = vector.broadcast %add3A_562 : i32 to vector<16xi32>
      %add3A_564 = arith.addi %iota3A, %add3A_563 : vector<16xi32>
      tpu.vector_store_idx %arg11[%broadcast_in_dim3A_561, %add3A_564], %gather3A_559 : memref<8x64xf32, #tpu.memory_space<vmem>>[vector<16xi32>, vector<16xi32>], vector<16xf32>,
      %add3A_565 = arith.constant 32 : i32
      %add3A_566 = vector.broadcast %add3A_565 : i32 to vector<16xi32>
      %add3A_567 = arith.addi %iota3A, %add3A_566 : vector<16xi32>
      %gather3A_568 = tpu.vector_load_idx %arg10[%broadcast_in_dim3A_546, %add3A_567, %broadcast_in_dim3A_544] : memref<4x64x128xf32, #tpu.memory_space<vmem>>[vector<16xi32>, vector<16xi32>, vector<16xi32>], vector<16xf32>,
      %broadcast_in_dim3A_569 = arith.constant 6 : i32
      %broadcast_in_dim3A_570 = vector.broadcast %broadcast_in_dim3A_569 : i32 to vector<16xi32>
      %add3A_571 = arith.constant 32 : i32
      %add3A_572 = vector.broadcast %add3A_571 : i32 to vector<16xi32>
      %add3A_573 = arith.addi %iota3A, %add3A_572 : vector<16xi32>
      tpu.vector_store_idx %arg11[%broadcast_in_dim3A_570, %add3A_573], %gather3A_568 : memref<8x64xf32, #tpu.memory_space<vmem>>[vector<16xi32>, vector<16xi32>], vector<16xf32>,
      %add3A_574 = arith.constant 48 : i32
      %add3A_575 = vector.broadcast %add3A_574 : i32 to vector<16xi32>
      %add3A_576 = arith.addi %iota3A, %add3A_575 : vector<16xi32>
      %gather3A_577 = tpu.vector_load_idx %arg10[%broadcast_in_dim3A_546, %add3A_576, %broadcast_in_dim3A_544] : memref<4x64x128xf32, #tpu.memory_space<vmem>>[vector<16xi32>, vector<16xi32>, vector<16xi32>], vector<16xf32>,
      %broadcast_in_dim3A_578 = arith.constant 6 : i32
      %broadcast_in_dim3A_579 = vector.broadcast %broadcast_in_dim3A_578 : i32 to vector<16xi32>
      %add3A_580 = arith.constant 48 : i32
      %add3A_581 = vector.broadcast %add3A_580 : i32 to vector<16xi32>
      %add3A_582 = arith.addi %iota3A, %add3A_581 : vector<16xi32>
      tpu.vector_store_idx %arg11[%broadcast_in_dim3A_579, %add3A_582], %gather3A_577 : memref<8x64xf32, #tpu.memory_space<vmem>>[vector<16xi32>, vector<16xi32>], vector<16xf32>,
      %slice3A_583 = vector.extract_strided_slice %get3A_453 {offsets = [3], sizes = [1], strides = [1]} : vector<16xi32> to vector<1xi32>
      %squeeze3A_584 = vector.extract %slice3A_583[0] : i32 from vector<1xi32>
      %and3A_585 = arith.constant 127 : i32
      %and3A_586 = arith.andi %squeeze3A_584, %and3A_585 : i32
      %broadcast_in_dim3A_587 = vector.broadcast %and3A_586 : i32 to vector<16xi32>
      %broadcast_in_dim3A_588 = arith.constant 3 : i32
      %broadcast_in_dim3A_589 = vector.broadcast %broadcast_in_dim3A_588 : i32 to vector<16xi32>
      %add3A_590 = arith.constant 0 : i32
      %add3A_591 = vector.broadcast %add3A_590 : i32 to vector<16xi32>
      %add3A_592 = arith.addi %iota3A, %add3A_591 : vector<16xi32>
      %gather3A_593 = tpu.vector_load_idx %arg10[%broadcast_in_dim3A_589, %add3A_592, %broadcast_in_dim3A_587] : memref<4x64x128xf32, #tpu.memory_space<vmem>>[vector<16xi32>, vector<16xi32>, vector<16xi32>], vector<16xf32>,
      %broadcast_in_dim3A_594 = arith.constant 7 : i32
      %broadcast_in_dim3A_595 = vector.broadcast %broadcast_in_dim3A_594 : i32 to vector<16xi32>
      %add3A_596 = arith.constant 0 : i32
      %add3A_597 = vector.broadcast %add3A_596 : i32 to vector<16xi32>
      %add3A_598 = arith.addi %iota3A, %add3A_597 : vector<16xi32>
      tpu.vector_store_idx %arg11[%broadcast_in_dim3A_595, %add3A_598], %gather3A_593 : memref<8x64xf32, #tpu.memory_space<vmem>>[vector<16xi32>, vector<16xi32>], vector<16xf32>,
      %add3A_599 = arith.constant 16 : i32
      %add3A_600 = vector.broadcast %add3A_599 : i32 to vector<16xi32>
      %add3A_601 = arith.addi %iota3A, %add3A_600 : vector<16xi32>
      %gather3A_602 = tpu.vector_load_idx %arg10[%broadcast_in_dim3A_589, %add3A_601, %broadcast_in_dim3A_587] : memref<4x64x128xf32, #tpu.memory_space<vmem>>[vector<16xi32>, vector<16xi32>, vector<16xi32>], vector<16xf32>,
      %broadcast_in_dim3A_603 = arith.constant 7 : i32
      %broadcast_in_dim3A_604 = vector.broadcast %broadcast_in_dim3A_603 : i32 to vector<16xi32>
      %add3A_605 = arith.constant 16 : i32
      %add3A_606 = vector.broadcast %add3A_605 : i32 to vector<16xi32>
      %add3A_607 = arith.addi %iota3A, %add3A_606 : vector<16xi32>
      tpu.vector_store_idx %arg11[%broadcast_in_dim3A_604, %add3A_607], %gather3A_602 : memref<8x64xf32, #tpu.memory_space<vmem>>[vector<16xi32>, vector<16xi32>], vector<16xf32>,
      %add3A_608 = arith.constant 32 : i32
      %add3A_609 = vector.broadcast %add3A_608 : i32 to vector<16xi32>
      %add3A_610 = arith.addi %iota3A, %add3A_609 : vector<16xi32>
      %gather3A_611 = tpu.vector_load_idx %arg10[%broadcast_in_dim3A_589, %add3A_610, %broadcast_in_dim3A_587] : memref<4x64x128xf32, #tpu.memory_space<vmem>>[vector<16xi32>, vector<16xi32>, vector<16xi32>], vector<16xf32>,
      %broadcast_in_dim3A_612 = arith.constant 7 : i32
      %broadcast_in_dim3A_613 = vector.broadcast %broadcast_in_dim3A_612 : i32 to vector<16xi32>
      %add3A_614 = arith.constant 32 : i32
      %add3A_615 = vector.broadcast %add3A_614 : i32 to vector<16xi32>
      %add3A_616 = arith.addi %iota3A, %add3A_615 : vector<16xi32>
      tpu.vector_store_idx %arg11[%broadcast_in_dim3A_613, %add3A_616], %gather3A_611 : memref<8x64xf32, #tpu.memory_space<vmem>>[vector<16xi32>, vector<16xi32>], vector<16xf32>,
      %add3A_617 = arith.constant 48 : i32
      %add3A_618 = vector.broadcast %add3A_617 : i32 to vector<16xi32>
      %add3A_619 = arith.addi %iota3A, %add3A_618 : vector<16xi32>
      %gather3A_620 = tpu.vector_load_idx %arg10[%broadcast_in_dim3A_589, %add3A_619, %broadcast_in_dim3A_587] : memref<4x64x128xf32, #tpu.memory_space<vmem>>[vector<16xi32>, vector<16xi32>, vector<16xi32>], vector<16xf32>,
      %broadcast_in_dim3A_621 = arith.constant 7 : i32
      %broadcast_in_dim3A_622 = vector.broadcast %broadcast_in_dim3A_621 : i32 to vector<16xi32>
      %add3A_623 = arith.constant 48 : i32
      %add3A_624 = vector.broadcast %add3A_623 : i32 to vector<16xi32>
      %add3A_625 = arith.addi %iota3A, %add3A_624 : vector<16xi32>
      tpu.vector_store_idx %arg11[%broadcast_in_dim3A_622, %add3A_625], %gather3A_620 : memref<8x64xf32, #tpu.memory_space<vmem>>[vector<16xi32>, vector<16xi32>], vector<16xf32>,
      %mul3A_626 = arith.constant 4 : i32
      %mul3A_627 = arith.muli %mul3A_173, %mul3A_626 : i32
      %add3A_628 = arith.addi %mul3A_2, %mul3A_627 : i32
      "tpu.region"() ({
        %run_scoped3A = tpu.sem_alloc : memref<!tpu.dma_semaphore, #tpu.memory_space<semaphore_mem>>
        %dma_start3A_629 = arith.constant 0 : i32
        %dma_start3A_630 = tpu.memref_slice %arg6[%add3A_628, %dma_start3A_629] : memref<16384x64xf32, #tpu.memory_space<hbm>> -> memref<8x64xf32, #tpu.memory_space<hbm>>
        %dma_start3A_631 = arith.constant 0 : i32
        %dma_start3A_632 = tpu.memref_slice %arg6[%add3A_628, %dma_start3A_631] : memref<16384x64xf32, #tpu.memory_space<hbm>> -> memref<8x64xf32, #tpu.memory_space<hbm>>
        tpu.enqueue_dma source(%arg11 : memref<8x64xf32, #tpu.memory_space<vmem>>) target(%dma_start3A_632 : memref<8x64xf32, #tpu.memory_space<hbm>>) target_semaphore(%run_scoped3A : memref<!tpu.dma_semaphore, #tpu.memory_space<semaphore_mem>>)
        %dma_wait3A_633 = arith.constant 0 : i32
        %dma_wait3A_634 = tpu.memref_slice %arg6[%add3A_628, %dma_wait3A_633] : memref<16384x64xf32, #tpu.memory_space<hbm>> -> memref<8x64xf32, #tpu.memory_space<hbm>>
        %dma_wait3A_635 = arith.constant 0 : i32
        %dma_wait3A_636 = tpu.memref_slice %arg6[%add3A_628, %dma_wait3A_635] : memref<16384x64xf32, #tpu.memory_space<hbm>> -> memref<8x64xf32, #tpu.memory_space<hbm>>
        tpu.wait_dma2 semaphore(%run_scoped3A : memref<!tpu.dma_semaphore, #tpu.memory_space<semaphore_mem>>) src(%arg11 : memref<8x64xf32, #tpu.memory_space<vmem>>) dst(%dma_wait3A_636 : memref<8x64xf32, #tpu.memory_space<hbm>>)
        tpu.yield
      }) : () -> ()
    }
    %scan3A_82 = arith.constant 64 : i32
    "tpu.region"() ({
      %run_scoped3A = tpu.sem_alloc : memref<!tpu.dma_semaphore, #tpu.memory_space<semaphore_mem>>
      %dma_start3A_171 = tpu.memref_slice %arg3[%mul3A_2] : memref<16384xi32, #tpu.memory_space<hbm>> -> memref<512xi32, #tpu.memory_space<hbm>>
      %dma_start3A_172 = tpu.memref_slice %arg3[%mul3A_2] : memref<16384xi32, #tpu.memory_space<hbm>> -> memref<512xi32, #tpu.memory_space<hbm>>
      tpu.enqueue_dma source(%dma_start3A_172 : memref<512xi32, #tpu.memory_space<hbm>>) target(%arg8 : memref<512xi32, #tpu.memory_space<vmem>>) target_semaphore(%run_scoped3A : memref<!tpu.dma_semaphore, #tpu.memory_space<semaphore_mem>>)
      %dma_wait3A = tpu.memref_slice %arg3[%mul3A_2] : memref<16384xi32, #tpu.memory_space<hbm>> -> memref<512xi32, #tpu.memory_space<hbm>>
      %dma_wait3A_173 = tpu.memref_slice %arg3[%mul3A_2] : memref<16384xi32, #tpu.memory_space<hbm>> -> memref<512xi32, #tpu.memory_space<hbm>>
      tpu.wait_dma2 semaphore(%run_scoped3A : memref<!tpu.dma_semaphore, #tpu.memory_space<semaphore_mem>>) src(%dma_wait3A_173 : memref<512xi32, #tpu.memory_space<hbm>>) dst(%arg8 : memref<512xi32, #tpu.memory_space<vmem>>)
      tpu.yield
    }) : () -> ()
    %get3A_83 = arith.constant 0 : index
    %get3A_84 = tpu.vector_load %arg8[%get3A_83] {strides = array<i32>} : memref<512xi32, #tpu.memory_space<vmem>>, vector<16xi32>,
    %slice3A_85 = vector.extract_strided_slice %get3A_84 {offsets = [0], sizes = [1], strides = [1]} : vector<16xi32> to vector<1xi32>
    %squeeze3A_86 = vector.extract %slice3A_85[0] : i32 from vector<1xi32>
    %shift_right_arithmetic3A_87 = arith.constant 7 : i32
    %shift_right_arithmetic3A_88 = arith.shrsi %squeeze3A_86, %shift_right_arithmetic3A_87 : i32
    %shift_left3A_89 = arith.constant 7 : i32
    %shift_left3A_90 = arith.shli %shift_right_arithmetic3A_88, %shift_left3A_89 : i32
    %multiple_of3A_91 = tpu.assume_multiple %shift_left3A_90, 128 : i32
    %dma_start3A_92 = arith.constant 0 : i32
    %dma_start3A_93 = arith.constant 0 : i32
    %dma_start3A_94 = arith.constant 0 : i32
    %dma_start3A_95 = tpu.memref_slice %arg9[%dma_start3A_92, %dma_start3A_93, %dma_start3A_94] : memref<4x64x128xf32, #tpu.memory_space<vmem>> -> memref<1x64x128xf32, #tpu.memory_space<vmem>>
    %dma_start3A_96 = tpu.memref_squeeze %dma_start3A_95 : memref<1x64x128xf32, #tpu.memory_space<vmem>> -> memref<64x128xf32, #tpu.memory_space<vmem>>
    %dma_start3A_97 = arith.constant 0 : i32
    %dma_start3A_98 = tpu.memref_slice %arg5[%dma_start3A_97, %multiple_of3A_91] : memref<64x1000000xf32, #tpu.memory_space<hbm>> -> memref<64x128xf32, #tpu.memory_space<hbm>>
    %dma_start3A_99 = arith.constant 0 : i32
    %dma_start3A_100 = arith.constant 0 : i32
    %dma_start3A_101 = tpu.memref_slice %arg9[%dma_start3A_92, %dma_start3A_99, %dma_start3A_100] : memref<4x64x128xf32, #tpu.memory_space<vmem>> -> memref<1x64x128xf32, #tpu.memory_space<vmem>>
    %dma_start3A_102 = tpu.memref_squeeze %dma_start3A_101 : memref<1x64x128xf32, #tpu.memory_space<vmem>> -> memref<64x128xf32, #tpu.memory_space<vmem>>
    %dma_start3A_103 = arith.constant 0 : i32
    %dma_start3A_104 = tpu.memref_slice %arg5[%dma_start3A_103, %multiple_of3A_91] : memref<64x1000000xf32, #tpu.memory_space<hbm>> -> memref<64x128xf32, #tpu.memory_space<hbm>>
    tpu.enqueue_dma source(%dma_start3A_104 : memref<64x128xf32, #tpu.memory_space<hbm>>) target(%dma_start3A_102 : memref<64x128xf32, #tpu.memory_space<vmem>>) target_semaphore(%arg12 : memref<!tpu.dma_semaphore, #tpu.memory_space<semaphore_mem>>)
    %slice3A_105 = vector.extract_strided_slice %get3A_84 {offsets = [1], sizes = [1], strides = [1]} : vector<16xi32> to vector<1xi32>
    %squeeze3A_106 = vector.extract %slice3A_105[0] : i32 from vector<1xi32>
    %shift_right_arithmetic3A_107 = arith.constant 7 : i32
    %shift_right_arithmetic3A_108 = arith.shrsi %squeeze3A_106, %shift_right_arithmetic3A_107 : i32
    %shift_left3A_109 = arith.constant 7 : i32
    %shift_left3A_110 = arith.shli %shift_right_arithmetic3A_108, %shift_left3A_109 : i32
    %multiple_of3A_111 = tpu.assume_multiple %shift_left3A_110, 128 : i32
    %dma_start3A_112 = arith.constant 1 : i32
    %dma_start3A_113 = arith.constant 0 : i32
    %dma_start3A_114 = arith.constant 0 : i32
    %dma_start3A_115 = tpu.memref_slice %arg9[%dma_start3A_112, %dma_start3A_113, %dma_start3A_114] : memref<4x64x128xf32, #tpu.memory_space<vmem>> -> memref<1x64x128xf32, #tpu.memory_space<vmem>>
    %dma_start3A_116 = tpu.memref_squeeze %dma_start3A_115 : memref<1x64x128xf32, #tpu.memory_space<vmem>> -> memref<64x128xf32, #tpu.memory_space<vmem>>
    %dma_start3A_117 = arith.constant 0 : i32
    %dma_start3A_118 = tpu.memref_slice %arg5[%dma_start3A_117, %multiple_of3A_111] : memref<64x1000000xf32, #tpu.memory_space<hbm>> -> memref<64x128xf32, #tpu.memory_space<hbm>>
    %dma_start3A_119 = arith.constant 0 : i32
    %dma_start3A_120 = arith.constant 0 : i32
    %dma_start3A_121 = tpu.memref_slice %arg9[%dma_start3A_112, %dma_start3A_119, %dma_start3A_120] : memref<4x64x128xf32, #tpu.memory_space<vmem>> -> memref<1x64x128xf32, #tpu.memory_space<vmem>>
    %dma_start3A_122 = tpu.memref_squeeze %dma_start3A_121 : memref<1x64x128xf32, #tpu.memory_space<vmem>> -> memref<64x128xf32, #tpu.memory_space<vmem>>
    %dma_start3A_123 = arith.constant 0 : i32
    %dma_start3A_124 = tpu.memref_slice %arg5[%dma_start3A_123, %multiple_of3A_111] : memref<64x1000000xf32, #tpu.memory_space<hbm>> -> memref<64x128xf32, #tpu.memory_space<hbm>>
    tpu.enqueue_dma source(%dma_start3A_124 : memref<64x128xf32, #tpu.memory_space<hbm>>) target(%dma_start3A_122 : memref<64x128xf32, #tpu.memory_space<vmem>>) target_semaphore(%arg12 : memref<!tpu.dma_semaphore, #tpu.memory_space<semaphore_mem>>)
    %slice3A_125 = vector.extract_strided_slice %get3A_84 {offsets = [2], sizes = [1], strides = [1]} : vector<16xi32> to vector<1xi32>
    %squeeze3A_126 = vector.extract %slice3A_125[0] : i32 from vector<1xi32>
    %shift_right_arithmetic3A_127 = arith.constant 7 : i32
    %shift_right_arithmetic3A_128 = arith.shrsi %squeeze3A_126, %shift_right_arithmetic3A_127 : i32
    %shift_left3A_129 = arith.constant 7 : i32
    %shift_left3A_130 = arith.shli %shift_right_arithmetic3A_128, %shift_left3A_129 : i32
    %multiple_of3A_131 = tpu.assume_multiple %shift_left3A_130, 128 : i32
    %dma_start3A_132 = arith.constant 2 : i32
    %dma_start3A_133 = arith.constant 0 : i32
    %dma_start3A_134 = arith.constant 0 : i32
    %dma_start3A_135 = tpu.memref_slice %arg9[%dma_start3A_132, %dma_start3A_133, %dma_start3A_134] : memref<4x64x128xf32, #tpu.memory_space<vmem>> -> memref<1x64x128xf32, #tpu.memory_space<vmem>>
    %dma_start3A_136 = tpu.memref_squeeze %dma_start3A_135 : memref<1x64x128xf32, #tpu.memory_space<vmem>> -> memref<64x128xf32, #tpu.memory_space<vmem>>
    %dma_start3A_137 = arith.constant 0 : i32
    %dma_start3A_138 = tpu.memref_slice %arg5[%dma_start3A_137, %multiple_of3A_131] : memref<64x1000000xf32, #tpu.memory_space<hbm>> -> memref<64x128xf32, #tpu.memory_space<hbm>>
    %dma_start3A_139 = arith.constant 0 : i32
    %dma_start3A_140 = arith.constant 0 : i32
    %dma_start3A_141 = tpu.memref_slice %arg9[%dma_start3A_132, %dma_start3A_139, %dma_start3A_140] : memref<4x64x128xf32, #tpu.memory_space<vmem>> -> memref<1x64x128xf32, #tpu.memory_space<vmem>>
    %dma_start3A_142 = tpu.memref_squeeze %dma_start3A_141 : memref<1x64x128xf32, #tpu.memory_space<vmem>> -> memref<64x128xf32, #tpu.memory_space<vmem>>
    %dma_start3A_143 = arith.constant 0 : i32
    %dma_start3A_144 = tpu.memref_slice %arg5[%dma_start3A_143, %multiple_of3A_131] : memref<64x1000000xf32, #tpu.memory_space<hbm>> -> memref<64x128xf32, #tpu.memory_space<hbm>>
    tpu.enqueue_dma source(%dma_start3A_144 : memref<64x128xf32, #tpu.memory_space<hbm>>) target(%dma_start3A_142 : memref<64x128xf32, #tpu.memory_space<vmem>>) target_semaphore(%arg12 : memref<!tpu.dma_semaphore, #tpu.memory_space<semaphore_mem>>)
    %slice3A_145 = vector.extract_strided_slice %get3A_84 {offsets = [3], sizes = [1], strides = [1]} : vector<16xi32> to vector<1xi32>
    %squeeze3A_146 = vector.extract %slice3A_145[0] : i32 from vector<1xi32>
    %shift_right_arithmetic3A_147 = arith.constant 7 : i32
    %shift_right_arithmetic3A_148 = arith.shrsi %squeeze3A_146, %shift_right_arithmetic3A_147 : i32
    %shift_left3A_149 = arith.constant 7 : i32
    %shift_left3A_150 = arith.shli %shift_right_arithmetic3A_148, %shift_left3A_149 : i32
    %multiple_of3A_151 = tpu.assume_multiple %shift_left3A_150, 128 : i32
    %dma_start3A_152 = arith.constant 3 : i32
    %dma_start3A_153 = arith.constant 0 : i32
    %dma_start3A_154 = arith.constant 0 : i32
    %dma_start3A_155 = tpu.memref_slice %arg9[%dma_start3A_152, %dma_start3A_153, %dma_start3A_154] : memref<4x64x128xf32, #tpu.memory_space<vmem>> -> memref<1x64x128xf32, #tpu.memory_space<vmem>>
    %dma_start3A_156 = tpu.memref_squeeze %dma_start3A_155 : memref<1x64x128xf32, #tpu.memory_space<vmem>> -> memref<64x128xf32, #tpu.memory_space<vmem>>
    %dma_start3A_157 = arith.constant 0 : i32
    %dma_start3A_158 = tpu.memref_slice %arg5[%dma_start3A_157, %multiple_of3A_151] : memref<64x1000000xf32, #tpu.memory_space<hbm>> -> memref<64x128xf32, #tpu.memory_space<hbm>>
    %dma_start3A_159 = arith.constant 0 : i32
    %dma_start3A_160 = arith.constant 0 : i32
    %dma_start3A_161 = tpu.memref_slice %arg9[%dma_start3A_152, %dma_start3A_159, %dma_start3A_160] : memref<4x64x128xf32, #tpu.memory_space<vmem>> -> memref<1x64x128xf32, #tpu.memory_space<vmem>>
    %dma_start3A_162 = tpu.memref_squeeze %dma_start3A_161 : memref<1x64x128xf32, #tpu.memory_space<vmem>> -> memref<64x128xf32, #tpu.memory_space<vmem>>
    %dma_start3A_163 = arith.constant 0 : i32
    %dma_start3A_164 = tpu.memref_slice %arg5[%dma_start3A_163, %multiple_of3A_151] : memref<64x1000000xf32, #tpu.memory_space<hbm>> -> memref<64x128xf32, #tpu.memory_space<hbm>>
    tpu.enqueue_dma source(%dma_start3A_164 : memref<64x128xf32, #tpu.memory_space<hbm>>) target(%dma_start3A_162 : memref<64x128xf32, #tpu.memory_space<vmem>>) target_semaphore(%arg12 : memref<!tpu.dma_semaphore, #tpu.memory_space<semaphore_mem>>)
    %scan3A_165 = arith.constant 0 : i32
    %scan3A_166 = arith.constant 0 : i32
    %scan3A_167 = arith.constant 64 : i32
    %scan3A_168 = arith.addi %scan3A_166, %scan3A_167 : i32
    %scan3A_169 = arith.constant 1 : i32
    scf.for %scan3A_171 = %scan3A_166 to %scan3A_168 step %scan3A_169  : i32 {
      %mul3A_172 = arith.constant 2 : i32
      %mul3A_173 = arith.muli %mul3A_172, %scan3A_171 : i32
      %add3A_174 = arith.constant 1 : i32
      %add3A_175 = arith.addi %mul3A_173, %add3A_174 : i32
      %mul3A_176 = arith.constant 4 : i32
      %mul3A_177 = arith.muli %add3A_175, %mul3A_176 : i32
      %get3A_178 = arith.index_cast %mul3A_177 : i32 to index
      %get3A_179 = tpu.vector_load %arg8[%get3A_178] {strides = array<i32>} : memref<512xi32, #tpu.memory_space<vmem>>, vector<16xi32>,
      %slice3A_180 = vector.extract_strided_slice %get3A_179 {offsets = [0], sizes = [1], strides = [1]} : vector<16xi32> to vector<1xi32>
      %squeeze3A_181 = vector.extract %slice3A_180[0] : i32 from vector<1xi32>
      %shift_right_arithmetic3A_182 = arith.constant 7 : i32
      %shift_right_arithmetic3A_183 = arith.shrsi %squeeze3A_181, %shift_right_arithmetic3A_182 : i32
      %shift_left3A_184 = arith.constant 7 : i32
      %shift_left3A_185 = arith.shli %shift_right_arithmetic3A_183, %shift_left3A_184 : i32
      %multiple_of3A_186 = tpu.assume_multiple %shift_left3A_185, 128 : i32
      %dma_start3A_187 = arith.constant 0 : i32
      %dma_start3A_188 = arith.constant 0 : i32
      %dma_start3A_189 = arith.constant 0 : i32
      %dma_start3A_190 = tpu.memref_slice %arg10[%dma_start3A_187, %dma_start3A_188, %dma_start3A_189] : memref<4x64x128xf32, #tpu.memory_space<vmem>> -> memref<1x64x128xf32, #tpu.memory_space<vmem>>
      %dma_start3A_191 = tpu.memref_squeeze %dma_start3A_190 : memref<1x64x128xf32, #tpu.memory_space<vmem>> -> memref<64x128xf32, #tpu.memory_space<vmem>>
      %dma_start3A_192 = arith.constant 0 : i32
      %dma_start3A_193 = tpu.memref_slice %arg5[%dma_start3A_192, %multiple_of3A_186] : memref<64x1000000xf32, #tpu.memory_space<hbm>> -> memref<64x128xf32, #tpu.memory_space<hbm>>
      %dma_start3A_194 = arith.constant 0 : i32
      %dma_start3A_195 = arith.constant 0 : i32
      %dma_start3A_196 = tpu.memref_slice %arg10[%dma_start3A_187, %dma_start3A_194, %dma_start3A_195] : memref<4x64x128xf32, #tpu.memory_space<vmem>> -> memref<1x64x128xf32, #tpu.memory_space<vmem>>
      %dma_start3A_197 = tpu.memref_squeeze %dma_start3A_196 : memref<1x64x128xf32, #tpu.memory_space<vmem>> -> memref<64x128xf32, #tpu.memory_space<vmem>>
      %dma_start3A_198 = arith.constant 0 : i32
      %dma_start3A_199 = tpu.memref_slice %arg5[%dma_start3A_198, %multiple_of3A_186] : memref<64x1000000xf32, #tpu.memory_space<hbm>> -> memref<64x128xf32, #tpu.memory_space<hbm>>
      tpu.enqueue_dma source(%dma_start3A_199 : memref<64x128xf32, #tpu.memory_space<hbm>>) target(%dma_start3A_197 : memref<64x128xf32, #tpu.memory_space<vmem>>) target_semaphore(%arg13 : memref<!tpu.dma_semaphore, #tpu.memory_space<semaphore_mem>>)
      %slice3A_200 = vector.extract_strided_slice %get3A_179 {offsets = [1], sizes = [1], strides = [1]} : vector<16xi32> to vector<1xi32>
      %squeeze3A_201 = vector.extract %slice3A_200[0] : i32 from vector<1xi32>
      %shift_right_arithmetic3A_202 = arith.constant 7 : i32
      %shift_right_arithmetic3A_203 = arith.shrsi %squeeze3A_201, %shift_right_arithmetic3A_202 : i32
      %shift_left3A_204 = arith.constant 7 : i32
      %shift_left3A_205 = arith.shli %shift_right_arithmetic3A_203, %shift_left3A_204 : i32
      %multiple_of3A_206 = tpu.assume_multiple %shift_left3A_205, 128 : i32
      %dma_start3A_207 = arith.constant 1 : i32
      %dma_start3A_208 = arith.constant 0 : i32
      %dma_start3A_209 = arith.constant 0 : i32
      %dma_start3A_210 = tpu.memref_slice %arg10[%dma_start3A_207, %dma_start3A_208, %dma_start3A_209] : memref<4x64x128xf32, #tpu.memory_space<vmem>> -> memref<1x64x128xf32, #tpu.memory_space<vmem>>
      %dma_start3A_211 = tpu.memref_squeeze %dma_start3A_210 : memref<1x64x128xf32, #tpu.memory_space<vmem>> -> memref<64x128xf32, #tpu.memory_space<vmem>>
      %dma_start3A_212 = arith.constant 0 : i32
      %dma_start3A_213 = tpu.memref_slice %arg5[%dma_start3A_212, %multiple_of3A_206] : memref<64x1000000xf32, #tpu.memory_space<hbm>> -> memref<64x128xf32, #tpu.memory_space<hbm>>
      %dma_start3A_214 = arith.constant 0 : i32
      %dma_start3A_215 = arith.constant 0 : i32
      %dma_start3A_216 = tpu.memref_slice %arg10[%dma_start3A_207, %dma_start3A_214, %dma_start3A_215] : memref<4x64x128xf32, #tpu.memory_space<vmem>> -> memref<1x64x128xf32, #tpu.memory_space<vmem>>
      %dma_start3A_217 = tpu.memref_squeeze %dma_start3A_216 : memref<1x64x128xf32, #tpu.memory_space<vmem>> -> memref<64x128xf32, #tpu.memory_space<vmem>>
      %dma_start3A_218 = arith.constant 0 : i32
      %dma_start3A_219 = tpu.memref_slice %arg5[%dma_start3A_218, %multiple_of3A_206] : memref<64x1000000xf32, #tpu.memory_space<hbm>> -> memref<64x128xf32, #tpu.memory_space<hbm>>
      tpu.enqueue_dma source(%dma_start3A_219 : memref<64x128xf32, #tpu.memory_space<hbm>>) target(%dma_start3A_217 : memref<64x128xf32, #tpu.memory_space<vmem>>) target_semaphore(%arg13 : memref<!tpu.dma_semaphore, #tpu.memory_space<semaphore_mem>>)
      %slice3A_220 = vector.extract_strided_slice %get3A_179 {offsets = [2], sizes = [1], strides = [1]} : vector<16xi32> to vector<1xi32>
      %squeeze3A_221 = vector.extract %slice3A_220[0] : i32 from vector<1xi32>
      %shift_right_arithmetic3A_222 = arith.constant 7 : i32
      %shift_right_arithmetic3A_223 = arith.shrsi %squeeze3A_221, %shift_right_arithmetic3A_222 : i32
      %shift_left3A_224 = arith.constant 7 : i32
      %shift_left3A_225 = arith.shli %shift_right_arithmetic3A_223, %shift_left3A_224 : i32
      %multiple_of3A_226 = tpu.assume_multiple %shift_left3A_225, 128 : i32
      %dma_start3A_227 = arith.constant 2 : i32
      %dma_start3A_228 = arith.constant 0 : i32
      %dma_start3A_229 = arith.constant 0 : i32
      %dma_start3A_230 = tpu.memref_slice %arg10[%dma_start3A_227, %dma_start3A_228, %dma_start3A_229] : memref<4x64x128xf32, #tpu.memory_space<vmem>> -> memref<1x64x128xf32, #tpu.memory_space<vmem>>
      %dma_start3A_231 = tpu.memref_squeeze %dma_start3A_230 : memref<1x64x128xf32, #tpu.memory_space<vmem>> -> memref<64x128xf32, #tpu.memory_space<vmem>>
      %dma_start3A_232 = arith.constant 0 : i32
      %dma_start3A_233 = tpu.memref_slice %arg5[%dma_start3A_232, %multiple_of3A_226] : memref<64x1000000xf32, #tpu.memory_space<hbm>> -> memref<64x128xf32, #tpu.memory_space<hbm>>
      %dma_start3A_234 = arith.constant 0 : i32
      %dma_start3A_235 = arith.constant 0 : i32
      %dma_start3A_236 = tpu.memref_slice %arg10[%dma_start3A_227, %dma_start3A_234, %dma_start3A_235] : memref<4x64x128xf32, #tpu.memory_space<vmem>> -> memref<1x64x128xf32, #tpu.memory_space<vmem>>
      %dma_start3A_237 = tpu.memref_squeeze %dma_start3A_236 : memref<1x64x128xf32, #tpu.memory_space<vmem>> -> memref<64x128xf32, #tpu.memory_space<vmem>>
      %dma_start3A_238 = arith.constant 0 : i32
      %dma_start3A_239 = tpu.memref_slice %arg5[%dma_start3A_238, %multiple_of3A_226] : memref<64x1000000xf32, #tpu.memory_space<hbm>> -> memref<64x128xf32, #tpu.memory_space<hbm>>
      tpu.enqueue_dma source(%dma_start3A_239 : memref<64x128xf32, #tpu.memory_space<hbm>>) target(%dma_start3A_237 : memref<64x128xf32, #tpu.memory_space<vmem>>) target_semaphore(%arg13 : memref<!tpu.dma_semaphore, #tpu.memory_space<semaphore_mem>>)
      %slice3A_240 = vector.extract_strided_slice %get3A_179 {offsets = [3], sizes = [1], strides = [1]} : vector<16xi32> to vector<1xi32>
      %squeeze3A_241 = vector.extract %slice3A_240[0] : i32 from vector<1xi32>
      %shift_right_arithmetic3A_242 = arith.constant 7 : i32
      %shift_right_arithmetic3A_243 = arith.shrsi %squeeze3A_241, %shift_right_arithmetic3A_242 : i32
      %shift_left3A_244 = arith.constant 7 : i32
      %shift_left3A_245 = arith.shli %shift_right_arithmetic3A_243, %shift_left3A_244 : i32
      %multiple_of3A_246 = tpu.assume_multiple %shift_left3A_245, 128 : i32
      %dma_start3A_247 = arith.constant 3 : i32
      %dma_start3A_248 = arith.constant 0 : i32
      %dma_start3A_249 = arith.constant 0 : i32
      %dma_start3A_250 = tpu.memref_slice %arg10[%dma_start3A_247, %dma_start3A_248, %dma_start3A_249] : memref<4x64x128xf32, #tpu.memory_space<vmem>> -> memref<1x64x128xf32, #tpu.memory_space<vmem>>
      %dma_start3A_251 = tpu.memref_squeeze %dma_start3A_250 : memref<1x64x128xf32, #tpu.memory_space<vmem>> -> memref<64x128xf32, #tpu.memory_space<vmem>>
      %dma_start3A_252 = arith.constant 0 : i32
      %dma_start3A_253 = tpu.memref_slice %arg5[%dma_start3A_252, %multiple_of3A_246] : memref<64x1000000xf32, #tpu.memory_space<hbm>> -> memref<64x128xf32, #tpu.memory_space<hbm>>
      %dma_start3A_254 = arith.constant 0 : i32
      %dma_start3A_255 = arith.constant 0 : i32
      %dma_start3A_256 = tpu.memref_slice %arg10[%dma_start3A_247, %dma_start3A_254, %dma_start3A_255] : memref<4x64x128xf32, #tpu.memory_space<vmem>> -> memref<1x64x128xf32, #tpu.memory_space<vmem>>
      %dma_start3A_257 = tpu.memref_squeeze %dma_start3A_256 : memref<1x64x128xf32, #tpu.memory_space<vmem>> -> memref<64x128xf32, #tpu.memory_space<vmem>>
      %dma_start3A_258 = arith.constant 0 : i32
      %dma_start3A_259 = tpu.memref_slice %arg5[%dma_start3A_258, %multiple_of3A_246] : memref<64x1000000xf32, #tpu.memory_space<hbm>> -> memref<64x128xf32, #tpu.memory_space<hbm>>
      tpu.enqueue_dma source(%dma_start3A_259 : memref<64x128xf32, #tpu.memory_space<hbm>>) target(%dma_start3A_257 : memref<64x128xf32, #tpu.memory_space<vmem>>) target_semaphore(%arg13 : memref<!tpu.dma_semaphore, #tpu.memory_space<semaphore_mem>>)
      %dma_wait3A = arith.constant 0 : i32
      %dma_wait3A_260 = arith.constant 0 : i32
      %dma_wait3A_261 = tpu.memref_slice %arg5[%dma_wait3A, %dma_wait3A_260] : memref<64x1000000xf32, #tpu.memory_space<hbm>> -> memref<64x128xf32, #tpu.memory_space<hbm>>
      %dma_wait3A_262 = arith.constant 0 : i32
      %dma_wait3A_263 = arith.constant 0 : i32
      %dma_wait3A_264 = tpu.memref_slice %arg5[%dma_wait3A_262, %dma_wait3A_263] : memref<64x1000000xf32, #tpu.memory_space<hbm>> -> memref<64x128xf32, #tpu.memory_space<hbm>>
      tpu.wait_dma2 semaphore(%arg12 : memref<!tpu.dma_semaphore, #tpu.memory_space<semaphore_mem>>) src(%dma_wait3A_264 : memref<64x128xf32, #tpu.memory_space<hbm>>) dst(%arg9 : memref<4x64x128xf32, #tpu.memory_space<vmem>>)
      %mul3A_265 = arith.constant 4 : i32
      %mul3A_266 = arith.muli %mul3A_173, %mul3A_265 : i32
      %get3A_267 = arith.index_cast %mul3A_266 : i32 to index
      %get3A_268 = tpu.vector_load %arg8[%get3A_267] {strides = array<i32>} : memref<512xi32, #tpu.memory_space<vmem>>, vector<16xi32>,
      %slice3A_269 = vector.extract_strided_slice %get3A_268 {offsets = [0], sizes = [1], strides = [1]} : vector<16xi32> to vector<1xi32>
      %squeeze3A_270 = vector.extract %slice3A_269[0] : i32 from vector<1xi32>
      %and3A = arith.constant 127 : i32
      %and3A_271 = arith.andi %squeeze3A_270, %and3A : i32
      %broadcast_in_dim3A = vector.broadcast %and3A_271 : i32 to vector<16xi32>
      %broadcast_in_dim3A_272 = arith.constant 0 : i32
      %broadcast_in_dim3A_273 = vector.broadcast %broadcast_in_dim3A_272 : i32 to vector<16xi32>
      %add3A_274 = arith.constant 0 : i32
      %add3A_275 = vector.broadcast %add3A_274 : i32 to vector<16xi32>
      %add3A_276 = arith.addi %iota3A, %add3A_275 : vector<16xi32>
      %gather3A = tpu.vector_load_idx %arg9[%broadcast_in_dim3A_273, %add3A_276, %broadcast_in_dim3A] : memref<4x64x128xf32, #tpu.memory_space<vmem>>[vector<16xi32>, vector<16xi32>, vector<16xi32>], vector<16xf32>,
      %broadcast_in_dim3A_277 = arith.constant 0 : i32
      %broadcast_in_dim3A_278 = vector.broadcast %broadcast_in_dim3A_277 : i32 to vector<16xi32>
      %add3A_279 = arith.constant 0 : i32
      %add3A_280 = vector.broadcast %add3A_279 : i32 to vector<16xi32>
      %add3A_281 = arith.addi %iota3A, %add3A_280 : vector<16xi32>
      tpu.vector_store_idx %arg11[%broadcast_in_dim3A_278, %add3A_281], %gather3A : memref<8x64xf32, #tpu.memory_space<vmem>>[vector<16xi32>, vector<16xi32>], vector<16xf32>,
      %add3A_282 = arith.constant 16 : i32
      %add3A_283 = vector.broadcast %add3A_282 : i32 to vector<16xi32>
      %add3A_284 = arith.addi %iota3A, %add3A_283 : vector<16xi32>
      %gather3A_285 = tpu.vector_load_idx %arg9[%broadcast_in_dim3A_273, %add3A_284, %broadcast_in_dim3A] : memref<4x64x128xf32, #tpu.memory_space<vmem>>[vector<16xi32>, vector<16xi32>, vector<16xi32>], vector<16xf32>,
      %broadcast_in_dim3A_286 = arith.constant 0 : i32
      %broadcast_in_dim3A_287 = vector.broadcast %broadcast_in_dim3A_286 : i32 to vector<16xi32>
      %add3A_288 = arith.constant 16 : i32
      %add3A_289 = vector.broadcast %add3A_288 : i32 to vector<16xi32>
      %add3A_290 = arith.addi %iota3A, %add3A_289 : vector<16xi32>
      tpu.vector_store_idx %arg11[%broadcast_in_dim3A_287, %add3A_290], %gather3A_285 : memref<8x64xf32, #tpu.memory_space<vmem>>[vector<16xi32>, vector<16xi32>], vector<16xf32>,
      %add3A_291 = arith.constant 32 : i32
      %add3A_292 = vector.broadcast %add3A_291 : i32 to vector<16xi32>
      %add3A_293 = arith.addi %iota3A, %add3A_292 : vector<16xi32>
      %gather3A_294 = tpu.vector_load_idx %arg9[%broadcast_in_dim3A_273, %add3A_293, %broadcast_in_dim3A] : memref<4x64x128xf32, #tpu.memory_space<vmem>>[vector<16xi32>, vector<16xi32>, vector<16xi32>], vector<16xf32>,
      %broadcast_in_dim3A_295 = arith.constant 0 : i32
      %broadcast_in_dim3A_296 = vector.broadcast %broadcast_in_dim3A_295 : i32 to vector<16xi32>
      %add3A_297 = arith.constant 32 : i32
      %add3A_298 = vector.broadcast %add3A_297 : i32 to vector<16xi32>
      %add3A_299 = arith.addi %iota3A, %add3A_298 : vector<16xi32>
      tpu.vector_store_idx %arg11[%broadcast_in_dim3A_296, %add3A_299], %gather3A_294 : memref<8x64xf32, #tpu.memory_space<vmem>>[vector<16xi32>, vector<16xi32>], vector<16xf32>,
      %add3A_300 = arith.constant 48 : i32
      %add3A_301 = vector.broadcast %add3A_300 : i32 to vector<16xi32>
      %add3A_302 = arith.addi %iota3A, %add3A_301 : vector<16xi32>
      %gather3A_303 = tpu.vector_load_idx %arg9[%broadcast_in_dim3A_273, %add3A_302, %broadcast_in_dim3A] : memref<4x64x128xf32, #tpu.memory_space<vmem>>[vector<16xi32>, vector<16xi32>, vector<16xi32>], vector<16xf32>,
      %broadcast_in_dim3A_304 = arith.constant 0 : i32
      %broadcast_in_dim3A_305 = vector.broadcast %broadcast_in_dim3A_304 : i32 to vector<16xi32>
      %add3A_306 = arith.constant 48 : i32
      %add3A_307 = vector.broadcast %add3A_306 : i32 to vector<16xi32>
      %add3A_308 = arith.addi %iota3A, %add3A_307 : vector<16xi32>
      tpu.vector_store_idx %arg11[%broadcast_in_dim3A_305, %add3A_308], %gather3A_303 : memref<8x64xf32, #tpu.memory_space<vmem>>[vector<16xi32>, vector<16xi32>], vector<16xf32>,
      %slice3A_309 = vector.extract_strided_slice %get3A_268 {offsets = [1], sizes = [1], strides = [1]} : vector<16xi32> to vector<1xi32>
      %squeeze3A_310 = vector.extract %slice3A_309[0] : i32 from vector<1xi32>
      %and3A_311 = arith.constant 127 : i32
      %and3A_312 = arith.andi %squeeze3A_310, %and3A_311 : i32
      %broadcast_in_dim3A_313 = vector.broadcast %and3A_312 : i32 to vector<16xi32>
      %broadcast_in_dim3A_314 = arith.constant 1 : i32
      %broadcast_in_dim3A_315 = vector.broadcast %broadcast_in_dim3A_314 : i32 to vector<16xi32>
      %add3A_316 = arith.constant 0 : i32
      %add3A_317 = vector.broadcast %add3A_316 : i32 to vector<16xi32>
      %add3A_318 = arith.addi %iota3A, %add3A_317 : vector<16xi32>
      %gather3A_319 = tpu.vector_load_idx %arg9[%broadcast_in_dim3A_315, %add3A_318, %broadcast_in_dim3A_313] : memref<4x64x128xf32, #tpu.memory_space<vmem>>[vector<16xi32>, vector<16xi32>, vector<16xi32>], vector<16xf32>,
      %broadcast_in_dim3A_320 = arith.constant 1 : i32
      %broadcast_in_dim3A_321 = vector.broadcast %broadcast_in_dim3A_320 : i32 to vector<16xi32>
      %add3A_322 = arith.constant 0 : i32
      %add3A_323 = vector.broadcast %add3A_322 : i32 to vector<16xi32>
      %add3A_324 = arith.addi %iota3A, %add3A_323 : vector<16xi32>
      tpu.vector_store_idx %arg11[%broadcast_in_dim3A_321, %add3A_324], %gather3A_319 : memref<8x64xf32, #tpu.memory_space<vmem>>[vector<16xi32>, vector<16xi32>], vector<16xf32>,
      %add3A_325 = arith.constant 16 : i32
      %add3A_326 = vector.broadcast %add3A_325 : i32 to vector<16xi32>
      %add3A_327 = arith.addi %iota3A, %add3A_326 : vector<16xi32>
      %gather3A_328 = tpu.vector_load_idx %arg9[%broadcast_in_dim3A_315, %add3A_327, %broadcast_in_dim3A_313] : memref<4x64x128xf32, #tpu.memory_space<vmem>>[vector<16xi32>, vector<16xi32>, vector<16xi32>], vector<16xf32>,
      %broadcast_in_dim3A_329 = arith.constant 1 : i32
      %broadcast_in_dim3A_330 = vector.broadcast %broadcast_in_dim3A_329 : i32 to vector<16xi32>
      %add3A_331 = arith.constant 16 : i32
      %add3A_332 = vector.broadcast %add3A_331 : i32 to vector<16xi32>
      %add3A_333 = arith.addi %iota3A, %add3A_332 : vector<16xi32>
      tpu.vector_store_idx %arg11[%broadcast_in_dim3A_330, %add3A_333], %gather3A_328 : memref<8x64xf32, #tpu.memory_space<vmem>>[vector<16xi32>, vector<16xi32>], vector<16xf32>,
      %add3A_334 = arith.constant 32 : i32
      %add3A_335 = vector.broadcast %add3A_334 : i32 to vector<16xi32>
      %add3A_336 = arith.addi %iota3A, %add3A_335 : vector<16xi32>
      %gather3A_337 = tpu.vector_load_idx %arg9[%broadcast_in_dim3A_315, %add3A_336, %broadcast_in_dim3A_313] : memref<4x64x128xf32, #tpu.memory_space<vmem>>[vector<16xi32>, vector<16xi32>, vector<16xi32>], vector<16xf32>,
      %broadcast_in_dim3A_338 = arith.constant 1 : i32
      %broadcast_in_dim3A_339 = vector.broadcast %broadcast_in_dim3A_338 : i32 to vector<16xi32>
      %add3A_340 = arith.constant 32 : i32
      %add3A_341 = vector.broadcast %add3A_340 : i32 to vector<16xi32>
      %add3A_342 = arith.addi %iota3A, %add3A_341 : vector<16xi32>
      tpu.vector_store_idx %arg11[%broadcast_in_dim3A_339, %add3A_342], %gather3A_337 : memref<8x64xf32, #tpu.memory_space<vmem>>[vector<16xi32>, vector<16xi32>], vector<16xf32>,
      %add3A_343 = arith.constant 48 : i32
      %add3A_344 = vector.broadcast %add3A_343 : i32 to vector<16xi32>
      %add3A_345 = arith.addi %iota3A, %add3A_344 : vector<16xi32>
      %gather3A_346 = tpu.vector_load_idx %arg9[%broadcast_in_dim3A_315, %add3A_345, %broadcast_in_dim3A_313] : memref<4x64x128xf32, #tpu.memory_space<vmem>>[vector<16xi32>, vector<16xi32>, vector<16xi32>], vector<16xf32>,
      %broadcast_in_dim3A_347 = arith.constant 1 : i32
      %broadcast_in_dim3A_348 = vector.broadcast %broadcast_in_dim3A_347 : i32 to vector<16xi32>
      %add3A_349 = arith.constant 48 : i32
      %add3A_350 = vector.broadcast %add3A_349 : i32 to vector<16xi32>
      %add3A_351 = arith.addi %iota3A, %add3A_350 : vector<16xi32>
      tpu.vector_store_idx %arg11[%broadcast_in_dim3A_348, %add3A_351], %gather3A_346 : memref<8x64xf32, #tpu.memory_space<vmem>>[vector<16xi32>, vector<16xi32>], vector<16xf32>,
      %slice3A_352 = vector.extract_strided_slice %get3A_268 {offsets = [2], sizes = [1], strides = [1]} : vector<16xi32> to vector<1xi32>
      %squeeze3A_353 = vector.extract %slice3A_352[0] : i32 from vector<1xi32>
      %and3A_354 = arith.constant 127 : i32
      %and3A_355 = arith.andi %squeeze3A_353, %and3A_354 : i32
      %broadcast_in_dim3A_356 = vector.broadcast %and3A_355 : i32 to vector<16xi32>
      %broadcast_in_dim3A_357 = arith.constant 2 : i32
      %broadcast_in_dim3A_358 = vector.broadcast %broadcast_in_dim3A_357 : i32 to vector<16xi32>
      %add3A_359 = arith.constant 0 : i32
      %add3A_360 = vector.broadcast %add3A_359 : i32 to vector<16xi32>
      %add3A_361 = arith.addi %iota3A, %add3A_360 : vector<16xi32>
      %gather3A_362 = tpu.vector_load_idx %arg9[%broadcast_in_dim3A_358, %add3A_361, %broadcast_in_dim3A_356] : memref<4x64x128xf32, #tpu.memory_space<vmem>>[vector<16xi32>, vector<16xi32>, vector<16xi32>], vector<16xf32>,
      %broadcast_in_dim3A_363 = arith.constant 2 : i32
      %broadcast_in_dim3A_364 = vector.broadcast %broadcast_in_dim3A_363 : i32 to vector<16xi32>
      %add3A_365 = arith.constant 0 : i32
      %add3A_366 = vector.broadcast %add3A_365 : i32 to vector<16xi32>
      %add3A_367 = arith.addi %iota3A, %add3A_366 : vector<16xi32>
      tpu.vector_store_idx %arg11[%broadcast_in_dim3A_364, %add3A_367], %gather3A_362 : memref<8x64xf32, #tpu.memory_space<vmem>>[vector<16xi32>, vector<16xi32>], vector<16xf32>,
      %add3A_368 = arith.constant 16 : i32
      %add3A_369 = vector.broadcast %add3A_368 : i32 to vector<16xi32>
      %add3A_370 = arith.addi %iota3A, %add3A_369 : vector<16xi32>
      %gather3A_371 = tpu.vector_load_idx %arg9[%broadcast_in_dim3A_358, %add3A_370, %broadcast_in_dim3A_356] : memref<4x64x128xf32, #tpu.memory_space<vmem>>[vector<16xi32>, vector<16xi32>, vector<16xi32>], vector<16xf32>,
      %broadcast_in_dim3A_372 = arith.constant 2 : i32
      %broadcast_in_dim3A_373 = vector.broadcast %broadcast_in_dim3A_372 : i32 to vector<16xi32>
      %add3A_374 = arith.constant 16 : i32
      %add3A_375 = vector.broadcast %add3A_374 : i32 to vector<16xi32>
      %add3A_376 = arith.addi %iota3A, %add3A_375 : vector<16xi32>
      tpu.vector_store_idx %arg11[%broadcast_in_dim3A_373, %add3A_376], %gather3A_371 : memref<8x64xf32, #tpu.memory_space<vmem>>[vector<16xi32>, vector<16xi32>], vector<16xf32>,
      %add3A_377 = arith.constant 32 : i32
      %add3A_378 = vector.broadcast %add3A_377 : i32 to vector<16xi32>
      %add3A_379 = arith.addi %iota3A, %add3A_378 : vector<16xi32>
      %gather3A_380 = tpu.vector_load_idx %arg9[%broadcast_in_dim3A_358, %add3A_379, %broadcast_in_dim3A_356] : memref<4x64x128xf32, #tpu.memory_space<vmem>>[vector<16xi32>, vector<16xi32>, vector<16xi32>], vector<16xf32>,
      %broadcast_in_dim3A_381 = arith.constant 2 : i32
      %broadcast_in_dim3A_382 = vector.broadcast %broadcast_in_dim3A_381 : i32 to vector<16xi32>
      %add3A_383 = arith.constant 32 : i32
      %add3A_384 = vector.broadcast %add3A_383 : i32 to vector<16xi32>
      %add3A_385 = arith.addi %iota3A, %add3A_384 : vector<16xi32>
      tpu.vector_store_idx %arg11[%broadcast_in_dim3A_382, %add3A_385], %gather3A_380 : memref<8x64xf32, #tpu.memory_space<vmem>>[vector<16xi32>, vector<16xi32>], vector<16xf32>,
      %add3A_386 = arith.constant 48 : i32
      %add3A_387 = vector.broadcast %add3A_386 : i32 to vector<16xi32>
      %add3A_388 = arith.addi %iota3A, %add3A_387 : vector<16xi32>
      %gather3A_389 = tpu.vector_load_idx %arg9[%broadcast_in_dim3A_358, %add3A_388, %broadcast_in_dim3A_356] : memref<4x64x128xf32, #tpu.memory_space<vmem>>[vector<16xi32>, vector<16xi32>, vector<16xi32>], vector<16xf32>,
      %broadcast_in_dim3A_390 = arith.constant 2 : i32
      %broadcast_in_dim3A_391 = vector.broadcast %broadcast_in_dim3A_390 : i32 to vector<16xi32>
      %add3A_392 = arith.constant 48 : i32
      %add3A_393 = vector.broadcast %add3A_392 : i32 to vector<16xi32>
      %add3A_394 = arith.addi %iota3A, %add3A_393 : vector<16xi32>
      tpu.vector_store_idx %arg11[%broadcast_in_dim3A_391, %add3A_394], %gather3A_389 : memref<8x64xf32, #tpu.memory_space<vmem>>[vector<16xi32>, vector<16xi32>], vector<16xf32>,
      %slice3A_395 = vector.extract_strided_slice %get3A_268 {offsets = [3], sizes = [1], strides = [1]} : vector<16xi32> to vector<1xi32>
      %squeeze3A_396 = vector.extract %slice3A_395[0] : i32 from vector<1xi32>
      %and3A_397 = arith.constant 127 : i32
      %and3A_398 = arith.andi %squeeze3A_396, %and3A_397 : i32
      %broadcast_in_dim3A_399 = vector.broadcast %and3A_398 : i32 to vector<16xi32>
      %broadcast_in_dim3A_400 = arith.constant 3 : i32
      %broadcast_in_dim3A_401 = vector.broadcast %broadcast_in_dim3A_400 : i32 to vector<16xi32>
      %add3A_402 = arith.constant 0 : i32
      %add3A_403 = vector.broadcast %add3A_402 : i32 to vector<16xi32>
      %add3A_404 = arith.addi %iota3A, %add3A_403 : vector<16xi32>
      %gather3A_405 = tpu.vector_load_idx %arg9[%broadcast_in_dim3A_401, %add3A_404, %broadcast_in_dim3A_399] : memref<4x64x128xf32, #tpu.memory_space<vmem>>[vector<16xi32>, vector<16xi32>, vector<16xi32>], vector<16xf32>,
      %broadcast_in_dim3A_406 = arith.constant 3 : i32
      %broadcast_in_dim3A_407 = vector.broadcast %broadcast_in_dim3A_406 : i32 to vector<16xi32>
      %add3A_408 = arith.constant 0 : i32
      %add3A_409 = vector.broadcast %add3A_408 : i32 to vector<16xi32>
      %add3A_410 = arith.addi %iota3A, %add3A_409 : vector<16xi32>
      tpu.vector_store_idx %arg11[%broadcast_in_dim3A_407, %add3A_410], %gather3A_405 : memref<8x64xf32, #tpu.memory_space<vmem>>[vector<16xi32>, vector<16xi32>], vector<16xf32>,
      %add3A_411 = arith.constant 16 : i32
      %add3A_412 = vector.broadcast %add3A_411 : i32 to vector<16xi32>
      %add3A_413 = arith.addi %iota3A, %add3A_412 : vector<16xi32>
      %gather3A_414 = tpu.vector_load_idx %arg9[%broadcast_in_dim3A_401, %add3A_413, %broadcast_in_dim3A_399] : memref<4x64x128xf32, #tpu.memory_space<vmem>>[vector<16xi32>, vector<16xi32>, vector<16xi32>], vector<16xf32>,
      %broadcast_in_dim3A_415 = arith.constant 3 : i32
      %broadcast_in_dim3A_416 = vector.broadcast %broadcast_in_dim3A_415 : i32 to vector<16xi32>
      %add3A_417 = arith.constant 16 : i32
      %add3A_418 = vector.broadcast %add3A_417 : i32 to vector<16xi32>
      %add3A_419 = arith.addi %iota3A, %add3A_418 : vector<16xi32>
      tpu.vector_store_idx %arg11[%broadcast_in_dim3A_416, %add3A_419], %gather3A_414 : memref<8x64xf32, #tpu.memory_space<vmem>>[vector<16xi32>, vector<16xi32>], vector<16xf32>,
      %add3A_420 = arith.constant 32 : i32
      %add3A_421 = vector.broadcast %add3A_420 : i32 to vector<16xi32>
      %add3A_422 = arith.addi %iota3A, %add3A_421 : vector<16xi32>
      %gather3A_423 = tpu.vector_load_idx %arg9[%broadcast_in_dim3A_401, %add3A_422, %broadcast_in_dim3A_399] : memref<4x64x128xf32, #tpu.memory_space<vmem>>[vector<16xi32>, vector<16xi32>, vector<16xi32>], vector<16xf32>,
      %broadcast_in_dim3A_424 = arith.constant 3 : i32
      %broadcast_in_dim3A_425 = vector.broadcast %broadcast_in_dim3A_424 : i32 to vector<16xi32>
      %add3A_426 = arith.constant 32 : i32
      %add3A_427 = vector.broadcast %add3A_426 : i32 to vector<16xi32>
      %add3A_428 = arith.addi %iota3A, %add3A_427 : vector<16xi32>
      tpu.vector_store_idx %arg11[%broadcast_in_dim3A_425, %add3A_428], %gather3A_423 : memref<8x64xf32, #tpu.memory_space<vmem>>[vector<16xi32>, vector<16xi32>], vector<16xf32>,
      %add3A_429 = arith.constant 48 : i32
      %add3A_430 = vector.broadcast %add3A_429 : i32 to vector<16xi32>
      %add3A_431 = arith.addi %iota3A, %add3A_430 : vector<16xi32>
      %gather3A_432 = tpu.vector_load_idx %arg9[%broadcast_in_dim3A_401, %add3A_431, %broadcast_in_dim3A_399] : memref<4x64x128xf32, #tpu.memory_space<vmem>>[vector<16xi32>, vector<16xi32>, vector<16xi32>], vector<16xf32>,
      %broadcast_in_dim3A_433 = arith.constant 3 : i32
      %broadcast_in_dim3A_434 = vector.broadcast %broadcast_in_dim3A_433 : i32 to vector<16xi32>
      %add3A_435 = arith.constant 48 : i32
      %add3A_436 = vector.broadcast %add3A_435 : i32 to vector<16xi32>
      %add3A_437 = arith.addi %iota3A, %add3A_436 : vector<16xi32>
      tpu.vector_store_idx %arg11[%broadcast_in_dim3A_434, %add3A_437], %gather3A_432 : memref<8x64xf32, #tpu.memory_space<vmem>>[vector<16xi32>, vector<16xi32>], vector<16xf32>,
      %add3A_438 = arith.constant 2 : i32
      %add3A_439 = arith.addi %mul3A_173, %add3A_438 : i32
      %lt3A = arith.constant 128 : i32
      %lt3A_440 = arith.cmpi slt, %add3A_439, %lt3A : i32
      %convert_element_type3A = arith.extui %lt3A_440 : i1 to i32
      %cond3A = arith.constant 0 : i32
      %cond3A_441 = arith.cmpi ne, %convert_element_type3A, %cond3A : i32
      scf.if %cond3A_441 {
        %add3A_629 = arith.constant 2 : i32
        %add3A_630 = arith.addi %mul3A_173, %add3A_629 : i32
        %mul3A_631 = arith.constant 4 : i32
        %mul3A_632 = arith.muli %add3A_630, %mul3A_631 : i32
        %get3A_633 = arith.index_cast %mul3A_632 : i32 to index
        %get3A_634 = tpu.vector_load %arg8[%get3A_633] {strides = array<i32>} : memref<512xi32, #tpu.memory_space<vmem>>, vector<16xi32>,
        %slice3A_635 = vector.extract_strided_slice %get3A_634 {offsets = [0], sizes = [1], strides = [1]} : vector<16xi32> to vector<1xi32>
        %squeeze3A_636 = vector.extract %slice3A_635[0] : i32 from vector<1xi32>
        %shift_right_arithmetic3A_637 = arith.constant 7 : i32
        %shift_right_arithmetic3A_638 = arith.shrsi %squeeze3A_636, %shift_right_arithmetic3A_637 : i32
        %shift_left3A_639 = arith.constant 7 : i32
        %shift_left3A_640 = arith.shli %shift_right_arithmetic3A_638, %shift_left3A_639 : i32
        %multiple_of3A_641 = tpu.assume_multiple %shift_left3A_640, 128 : i32
        %dma_start3A_642 = arith.constant 0 : i32
        %dma_start3A_643 = arith.constant 0 : i32
        %dma_start3A_644 = arith.constant 0 : i32
        %dma_start3A_645 = tpu.memref_slice %arg9[%dma_start3A_642, %dma_start3A_643, %dma_start3A_644] : memref<4x64x128xf32, #tpu.memory_space<vmem>> -> memref<1x64x128xf32, #tpu.memory_space<vmem>>
        %dma_start3A_646 = tpu.memref_squeeze %dma_start3A_645 : memref<1x64x128xf32, #tpu.memory_space<vmem>> -> memref<64x128xf32, #tpu.memory_space<vmem>>
        %dma_start3A_647 = arith.constant 0 : i32
        %dma_start3A_648 = tpu.memref_slice %arg5[%dma_start3A_647, %multiple_of3A_641] : memref<64x1000000xf32, #tpu.memory_space<hbm>> -> memref<64x128xf32, #tpu.memory_space<hbm>>
        %dma_start3A_649 = arith.constant 0 : i32
        %dma_start3A_650 = arith.constant 0 : i32
        %dma_start3A_651 = tpu.memref_slice %arg9[%dma_start3A_642, %dma_start3A_649, %dma_start3A_650] : memref<4x64x128xf32, #tpu.memory_space<vmem>> -> memref<1x64x128xf32, #tpu.memory_space<vmem>>
        %dma_start3A_652 = tpu.memref_squeeze %dma_start3A_651 : memref<1x64x128xf32, #tpu.memory_space<vmem>> -> memref<64x128xf32, #tpu.memory_space<vmem>>
        %dma_start3A_653 = arith.constant 0 : i32
        %dma_start3A_654 = tpu.memref_slice %arg5[%dma_start3A_653, %multiple_of3A_641] : memref<64x1000000xf32, #tpu.memory_space<hbm>> -> memref<64x128xf32, #tpu.memory_space<hbm>>
        tpu.enqueue_dma source(%dma_start3A_654 : memref<64x128xf32, #tpu.memory_space<hbm>>) target(%dma_start3A_652 : memref<64x128xf32, #tpu.memory_space<vmem>>) target_semaphore(%arg12 : memref<!tpu.dma_semaphore, #tpu.memory_space<semaphore_mem>>)
        %slice3A_655 = vector.extract_strided_slice %get3A_634 {offsets = [1], sizes = [1], strides = [1]} : vector<16xi32> to vector<1xi32>
        %squeeze3A_656 = vector.extract %slice3A_655[0] : i32 from vector<1xi32>
        %shift_right_arithmetic3A_657 = arith.constant 7 : i32
        %shift_right_arithmetic3A_658 = arith.shrsi %squeeze3A_656, %shift_right_arithmetic3A_657 : i32
        %shift_left3A_659 = arith.constant 7 : i32
        %shift_left3A_660 = arith.shli %shift_right_arithmetic3A_658, %shift_left3A_659 : i32
        %multiple_of3A_661 = tpu.assume_multiple %shift_left3A_660, 128 : i32
        %dma_start3A_662 = arith.constant 1 : i32
        %dma_start3A_663 = arith.constant 0 : i32
        %dma_start3A_664 = arith.constant 0 : i32
        %dma_start3A_665 = tpu.memref_slice %arg9[%dma_start3A_662, %dma_start3A_663, %dma_start3A_664] : memref<4x64x128xf32, #tpu.memory_space<vmem>> -> memref<1x64x128xf32, #tpu.memory_space<vmem>>
        %dma_start3A_666 = tpu.memref_squeeze %dma_start3A_665 : memref<1x64x128xf32, #tpu.memory_space<vmem>> -> memref<64x128xf32, #tpu.memory_space<vmem>>
        %dma_start3A_667 = arith.constant 0 : i32
        %dma_start3A_668 = tpu.memref_slice %arg5[%dma_start3A_667, %multiple_of3A_661] : memref<64x1000000xf32, #tpu.memory_space<hbm>> -> memref<64x128xf32, #tpu.memory_space<hbm>>
        %dma_start3A_669 = arith.constant 0 : i32
        %dma_start3A_670 = arith.constant 0 : i32
        %dma_start3A_671 = tpu.memref_slice %arg9[%dma_start3A_662, %dma_start3A_669, %dma_start3A_670] : memref<4x64x128xf32, #tpu.memory_space<vmem>> -> memref<1x64x128xf32, #tpu.memory_space<vmem>>
        %dma_start3A_672 = tpu.memref_squeeze %dma_start3A_671 : memref<1x64x128xf32, #tpu.memory_space<vmem>> -> memref<64x128xf32, #tpu.memory_space<vmem>>
        %dma_start3A_673 = arith.constant 0 : i32
        %dma_start3A_674 = tpu.memref_slice %arg5[%dma_start3A_673, %multiple_of3A_661] : memref<64x1000000xf32, #tpu.memory_space<hbm>> -> memref<64x128xf32, #tpu.memory_space<hbm>>
        tpu.enqueue_dma source(%dma_start3A_674 : memref<64x128xf32, #tpu.memory_space<hbm>>) target(%dma_start3A_672 : memref<64x128xf32, #tpu.memory_space<vmem>>) target_semaphore(%arg12 : memref<!tpu.dma_semaphore, #tpu.memory_space<semaphore_mem>>)
        %slice3A_675 = vector.extract_strided_slice %get3A_634 {offsets = [2], sizes = [1], strides = [1]} : vector<16xi32> to vector<1xi32>
        %squeeze3A_676 = vector.extract %slice3A_675[0] : i32 from vector<1xi32>
        %shift_right_arithmetic3A_677 = arith.constant 7 : i32
        %shift_right_arithmetic3A_678 = arith.shrsi %squeeze3A_676, %shift_right_arithmetic3A_677 : i32
        %shift_left3A_679 = arith.constant 7 : i32
        %shift_left3A_680 = arith.shli %shift_right_arithmetic3A_678, %shift_left3A_679 : i32
        %multiple_of3A_681 = tpu.assume_multiple %shift_left3A_680, 128 : i32
        %dma_start3A_682 = arith.constant 2 : i32
        %dma_start3A_683 = arith.constant 0 : i32
        %dma_start3A_684 = arith.constant 0 : i32
        %dma_start3A_685 = tpu.memref_slice %arg9[%dma_start3A_682, %dma_start3A_683, %dma_start3A_684] : memref<4x64x128xf32, #tpu.memory_space<vmem>> -> memref<1x64x128xf32, #tpu.memory_space<vmem>>
        %dma_start3A_686 = tpu.memref_squeeze %dma_start3A_685 : memref<1x64x128xf32, #tpu.memory_space<vmem>> -> memref<64x128xf32, #tpu.memory_space<vmem>>
        %dma_start3A_687 = arith.constant 0 : i32
        %dma_start3A_688 = tpu.memref_slice %arg5[%dma_start3A_687, %multiple_of3A_681] : memref<64x1000000xf32, #tpu.memory_space<hbm>> -> memref<64x128xf32, #tpu.memory_space<hbm>>
        %dma_start3A_689 = arith.constant 0 : i32
        %dma_start3A_690 = arith.constant 0 : i32
        %dma_start3A_691 = tpu.memref_slice %arg9[%dma_start3A_682, %dma_start3A_689, %dma_start3A_690] : memref<4x64x128xf32, #tpu.memory_space<vmem>> -> memref<1x64x128xf32, #tpu.memory_space<vmem>>
        %dma_start3A_692 = tpu.memref_squeeze %dma_start3A_691 : memref<1x64x128xf32, #tpu.memory_space<vmem>> -> memref<64x128xf32, #tpu.memory_space<vmem>>
        %dma_start3A_693 = arith.constant 0 : i32
        %dma_start3A_694 = tpu.memref_slice %arg5[%dma_start3A_693, %multiple_of3A_681] : memref<64x1000000xf32, #tpu.memory_space<hbm>> -> memref<64x128xf32, #tpu.memory_space<hbm>>
        tpu.enqueue_dma source(%dma_start3A_694 : memref<64x128xf32, #tpu.memory_space<hbm>>) target(%dma_start3A_692 : memref<64x128xf32, #tpu.memory_space<vmem>>) target_semaphore(%arg12 : memref<!tpu.dma_semaphore, #tpu.memory_space<semaphore_mem>>)
        %slice3A_695 = vector.extract_strided_slice %get3A_634 {offsets = [3], sizes = [1], strides = [1]} : vector<16xi32> to vector<1xi32>
        %squeeze3A_696 = vector.extract %slice3A_695[0] : i32 from vector<1xi32>
        %shift_right_arithmetic3A_697 = arith.constant 7 : i32
        %shift_right_arithmetic3A_698 = arith.shrsi %squeeze3A_696, %shift_right_arithmetic3A_697 : i32
        %shift_left3A_699 = arith.constant 7 : i32
        %shift_left3A_700 = arith.shli %shift_right_arithmetic3A_698, %shift_left3A_699 : i32
        %multiple_of3A_701 = tpu.assume_multiple %shift_left3A_700, 128 : i32
        %dma_start3A_702 = arith.constant 3 : i32
        %dma_start3A_703 = arith.constant 0 : i32
        %dma_start3A_704 = arith.constant 0 : i32
        %dma_start3A_705 = tpu.memref_slice %arg9[%dma_start3A_702, %dma_start3A_703, %dma_start3A_704] : memref<4x64x128xf32, #tpu.memory_space<vmem>> -> memref<1x64x128xf32, #tpu.memory_space<vmem>>
        %dma_start3A_706 = tpu.memref_squeeze %dma_start3A_705 : memref<1x64x128xf32, #tpu.memory_space<vmem>> -> memref<64x128xf32, #tpu.memory_space<vmem>>
        %dma_start3A_707 = arith.constant 0 : i32
        %dma_start3A_708 = tpu.memref_slice %arg5[%dma_start3A_707, %multiple_of3A_701] : memref<64x1000000xf32, #tpu.memory_space<hbm>> -> memref<64x128xf32, #tpu.memory_space<hbm>>
        %dma_start3A_709 = arith.constant 0 : i32
        %dma_start3A_710 = arith.constant 0 : i32
        %dma_start3A_711 = tpu.memref_slice %arg9[%dma_start3A_702, %dma_start3A_709, %dma_start3A_710] : memref<4x64x128xf32, #tpu.memory_space<vmem>> -> memref<1x64x128xf32, #tpu.memory_space<vmem>>
        %dma_start3A_712 = tpu.memref_squeeze %dma_start3A_711 : memref<1x64x128xf32, #tpu.memory_space<vmem>> -> memref<64x128xf32, #tpu.memory_space<vmem>>
        %dma_start3A_713 = arith.constant 0 : i32
        %dma_start3A_714 = tpu.memref_slice %arg5[%dma_start3A_713, %multiple_of3A_701] : memref<64x1000000xf32, #tpu.memory_space<hbm>> -> memref<64x128xf32, #tpu.memory_space<hbm>>
        tpu.enqueue_dma source(%dma_start3A_714 : memref<64x128xf32, #tpu.memory_space<hbm>>) target(%dma_start3A_712 : memref<64x128xf32, #tpu.memory_space<vmem>>) target_semaphore(%arg12 : memref<!tpu.dma_semaphore, #tpu.memory_space<semaphore_mem>>)
      } else {
      }
      %add3A_442 = arith.constant 1 : i32
      %add3A_443 = arith.addi %mul3A_173, %add3A_442 : i32
      %dma_wait3A_444 = arith.constant 0 : i32
      %dma_wait3A_445 = arith.constant 0 : i32
      %dma_wait3A_446 = tpu.memref_slice %arg5[%dma_wait3A_444, %dma_wait3A_445] : memref<64x1000000xf32, #tpu.memory_space<hbm>> -> memref<64x128xf32, #tpu.memory_space<hbm>>
      %dma_wait3A_447 = arith.constant 0 : i32
      %dma_wait3A_448 = arith.constant 0 : i32
      %dma_wait3A_449 = tpu.memref_slice %arg5[%dma_wait3A_447, %dma_wait3A_448] : memref<64x1000000xf32, #tpu.memory_space<hbm>> -> memref<64x128xf32, #tpu.memory_space<hbm>>
      tpu.wait_dma2 semaphore(%arg13 : memref<!tpu.dma_semaphore, #tpu.memory_space<semaphore_mem>>) src(%dma_wait3A_449 : memref<64x128xf32, #tpu.memory_space<hbm>>) dst(%arg10 : memref<4x64x128xf32, #tpu.memory_space<vmem>>)
      %mul3A_450 = arith.constant 4 : i32
      %mul3A_451 = arith.muli %add3A_443, %mul3A_450 : i32
      %get3A_452 = arith.index_cast %mul3A_451 : i32 to index
      %get3A_453 = tpu.vector_load %arg8[%get3A_452] {strides = array<i32>} : memref<512xi32, #tpu.memory_space<vmem>>, vector<16xi32>,
      %slice3A_454 = vector.extract_strided_slice %get3A_453 {offsets = [0], sizes = [1], strides = [1]} : vector<16xi32> to vector<1xi32>
      %squeeze3A_455 = vector.extract %slice3A_454[0] : i32 from vector<1xi32>
      %and3A_456 = arith.constant 127 : i32
      %and3A_457 = arith.andi %squeeze3A_455, %and3A_456 : i32
      %broadcast_in_dim3A_458 = vector.broadcast %and3A_457 : i32 to vector<16xi32>
      %broadcast_in_dim3A_459 = arith.constant 0 : i32
      %broadcast_in_dim3A_460 = vector.broadcast %broadcast_in_dim3A_459 : i32 to vector<16xi32>
      %add3A_461 = arith.constant 0 : i32
      %add3A_462 = vector.broadcast %add3A_461 : i32 to vector<16xi32>
      %add3A_463 = arith.addi %iota3A, %add3A_462 : vector<16xi32>
      %gather3A_464 = tpu.vector_load_idx %arg10[%broadcast_in_dim3A_460, %add3A_463, %broadcast_in_dim3A_458] : memref<4x64x128xf32, #tpu.memory_space<vmem>>[vector<16xi32>, vector<16xi32>, vector<16xi32>], vector<16xf32>,
      %broadcast_in_dim3A_465 = arith.constant 4 : i32
      %broadcast_in_dim3A_466 = vector.broadcast %broadcast_in_dim3A_465 : i32 to vector<16xi32>
      %add3A_467 = arith.constant 0 : i32
      %add3A_468 = vector.broadcast %add3A_467 : i32 to vector<16xi32>
      %add3A_469 = arith.addi %iota3A, %add3A_468 : vector<16xi32>
      tpu.vector_store_idx %arg11[%broadcast_in_dim3A_466, %add3A_469], %gather3A_464 : memref<8x64xf32, #tpu.memory_space<vmem>>[vector<16xi32>, vector<16xi32>], vector<16xf32>,
      %add3A_470 = arith.constant 16 : i32
      %add3A_471 = vector.broadcast %add3A_470 : i32 to vector<16xi32>
      %add3A_472 = arith.addi %iota3A, %add3A_471 : vector<16xi32>
      %gather3A_473 = tpu.vector_load_idx %arg10[%broadcast_in_dim3A_460, %add3A_472, %broadcast_in_dim3A_458] : memref<4x64x128xf32, #tpu.memory_space<vmem>>[vector<16xi32>, vector<16xi32>, vector<16xi32>], vector<16xf32>,
      %broadcast_in_dim3A_474 = arith.constant 4 : i32
      %broadcast_in_dim3A_475 = vector.broadcast %broadcast_in_dim3A_474 : i32 to vector<16xi32>
      %add3A_476 = arith.constant 16 : i32
      %add3A_477 = vector.broadcast %add3A_476 : i32 to vector<16xi32>
      %add3A_478 = arith.addi %iota3A, %add3A_477 : vector<16xi32>
      tpu.vector_store_idx %arg11[%broadcast_in_dim3A_475, %add3A_478], %gather3A_473 : memref<8x64xf32, #tpu.memory_space<vmem>>[vector<16xi32>, vector<16xi32>], vector<16xf32>,
      %add3A_479 = arith.constant 32 : i32
      %add3A_480 = vector.broadcast %add3A_479 : i32 to vector<16xi32>
      %add3A_481 = arith.addi %iota3A, %add3A_480 : vector<16xi32>
      %gather3A_482 = tpu.vector_load_idx %arg10[%broadcast_in_dim3A_460, %add3A_481, %broadcast_in_dim3A_458] : memref<4x64x128xf32, #tpu.memory_space<vmem>>[vector<16xi32>, vector<16xi32>, vector<16xi32>], vector<16xf32>,
      %broadcast_in_dim3A_483 = arith.constant 4 : i32
      %broadcast_in_dim3A_484 = vector.broadcast %broadcast_in_dim3A_483 : i32 to vector<16xi32>
      %add3A_485 = arith.constant 32 : i32
      %add3A_486 = vector.broadcast %add3A_485 : i32 to vector<16xi32>
      %add3A_487 = arith.addi %iota3A, %add3A_486 : vector<16xi32>
      tpu.vector_store_idx %arg11[%broadcast_in_dim3A_484, %add3A_487], %gather3A_482 : memref<8x64xf32, #tpu.memory_space<vmem>>[vector<16xi32>, vector<16xi32>], vector<16xf32>,
      %add3A_488 = arith.constant 48 : i32
      %add3A_489 = vector.broadcast %add3A_488 : i32 to vector<16xi32>
      %add3A_490 = arith.addi %iota3A, %add3A_489 : vector<16xi32>
      %gather3A_491 = tpu.vector_load_idx %arg10[%broadcast_in_dim3A_460, %add3A_490, %broadcast_in_dim3A_458] : memref<4x64x128xf32, #tpu.memory_space<vmem>>[vector<16xi32>, vector<16xi32>, vector<16xi32>], vector<16xf32>,
      %broadcast_in_dim3A_492 = arith.constant 4 : i32
      %broadcast_in_dim3A_493 = vector.broadcast %broadcast_in_dim3A_492 : i32 to vector<16xi32>
      %add3A_494 = arith.constant 48 : i32
      %add3A_495 = vector.broadcast %add3A_494 : i32 to vector<16xi32>
      %add3A_496 = arith.addi %iota3A, %add3A_495 : vector<16xi32>
      tpu.vector_store_idx %arg11[%broadcast_in_dim3A_493, %add3A_496], %gather3A_491 : memref<8x64xf32, #tpu.memory_space<vmem>>[vector<16xi32>, vector<16xi32>], vector<16xf32>,
      %slice3A_497 = vector.extract_strided_slice %get3A_453 {offsets = [1], sizes = [1], strides = [1]} : vector<16xi32> to vector<1xi32>
      %squeeze3A_498 = vector.extract %slice3A_497[0] : i32 from vector<1xi32>
      %and3A_499 = arith.constant 127 : i32
      %and3A_500 = arith.andi %squeeze3A_498, %and3A_499 : i32
      %broadcast_in_dim3A_501 = vector.broadcast %and3A_500 : i32 to vector<16xi32>
      %broadcast_in_dim3A_502 = arith.constant 1 : i32
      %broadcast_in_dim3A_503 = vector.broadcast %broadcast_in_dim3A_502 : i32 to vector<16xi32>
      %add3A_504 = arith.constant 0 : i32
      %add3A_505 = vector.broadcast %add3A_504 : i32 to vector<16xi32>
      %add3A_506 = arith.addi %iota3A, %add3A_505 : vector<16xi32>
      %gather3A_507 = tpu.vector_load_idx %arg10[%broadcast_in_dim3A_503, %add3A_506, %broadcast_in_dim3A_501] : memref<4x64x128xf32, #tpu.memory_space<vmem>>[vector<16xi32>, vector<16xi32>, vector<16xi32>], vector<16xf32>,
      %broadcast_in_dim3A_508 = arith.constant 5 : i32
      %broadcast_in_dim3A_509 = vector.broadcast %broadcast_in_dim3A_508 : i32 to vector<16xi32>
      %add3A_510 = arith.constant 0 : i32
      %add3A_511 = vector.broadcast %add3A_510 : i32 to vector<16xi32>
      %add3A_512 = arith.addi %iota3A, %add3A_511 : vector<16xi32>
      tpu.vector_store_idx %arg11[%broadcast_in_dim3A_509, %add3A_512], %gather3A_507 : memref<8x64xf32, #tpu.memory_space<vmem>>[vector<16xi32>, vector<16xi32>], vector<16xf32>,
      %add3A_513 = arith.constant 16 : i32
      %add3A_514 = vector.broadcast %add3A_513 : i32 to vector<16xi32>
      %add3A_515 = arith.addi %iota3A, %add3A_514 : vector<16xi32>
      %gather3A_516 = tpu.vector_load_idx %arg10[%broadcast_in_dim3A_503, %add3A_515, %broadcast_in_dim3A_501] : memref<4x64x128xf32, #tpu.memory_space<vmem>>[vector<16xi32>, vector<16xi32>, vector<16xi32>], vector<16xf32>,
      %broadcast_in_dim3A_517 = arith.constant 5 : i32
      %broadcast_in_dim3A_518 = vector.broadcast %broadcast_in_dim3A_517 : i32 to vector<16xi32>
      %add3A_519 = arith.constant 16 : i32
      %add3A_520 = vector.broadcast %add3A_519 : i32 to vector<16xi32>
      %add3A_521 = arith.addi %iota3A, %add3A_520 : vector<16xi32>
      tpu.vector_store_idx %arg11[%broadcast_in_dim3A_518, %add3A_521], %gather3A_516 : memref<8x64xf32, #tpu.memory_space<vmem>>[vector<16xi32>, vector<16xi32>], vector<16xf32>,
      %add3A_522 = arith.constant 32 : i32
      %add3A_523 = vector.broadcast %add3A_522 : i32 to vector<16xi32>
      %add3A_524 = arith.addi %iota3A, %add3A_523 : vector<16xi32>
      %gather3A_525 = tpu.vector_load_idx %arg10[%broadcast_in_dim3A_503, %add3A_524, %broadcast_in_dim3A_501] : memref<4x64x128xf32, #tpu.memory_space<vmem>>[vector<16xi32>, vector<16xi32>, vector<16xi32>], vector<16xf32>,
      %broadcast_in_dim3A_526 = arith.constant 5 : i32
      %broadcast_in_dim3A_527 = vector.broadcast %broadcast_in_dim3A_526 : i32 to vector<16xi32>
      %add3A_528 = arith.constant 32 : i32
      %add3A_529 = vector.broadcast %add3A_528 : i32 to vector<16xi32>
      %add3A_530 = arith.addi %iota3A, %add3A_529 : vector<16xi32>
      tpu.vector_store_idx %arg11[%broadcast_in_dim3A_527, %add3A_530], %gather3A_525 : memref<8x64xf32, #tpu.memory_space<vmem>>[vector<16xi32>, vector<16xi32>], vector<16xf32>,
      %add3A_531 = arith.constant 48 : i32
      %add3A_532 = vector.broadcast %add3A_531 : i32 to vector<16xi32>
      %add3A_533 = arith.addi %iota3A, %add3A_532 : vector<16xi32>
      %gather3A_534 = tpu.vector_load_idx %arg10[%broadcast_in_dim3A_503, %add3A_533, %broadcast_in_dim3A_501] : memref<4x64x128xf32, #tpu.memory_space<vmem>>[vector<16xi32>, vector<16xi32>, vector<16xi32>], vector<16xf32>,
      %broadcast_in_dim3A_535 = arith.constant 5 : i32
      %broadcast_in_dim3A_536 = vector.broadcast %broadcast_in_dim3A_535 : i32 to vector<16xi32>
      %add3A_537 = arith.constant 48 : i32
      %add3A_538 = vector.broadcast %add3A_537 : i32 to vector<16xi32>
      %add3A_539 = arith.addi %iota3A, %add3A_538 : vector<16xi32>
      tpu.vector_store_idx %arg11[%broadcast_in_dim3A_536, %add3A_539], %gather3A_534 : memref<8x64xf32, #tpu.memory_space<vmem>>[vector<16xi32>, vector<16xi32>], vector<16xf32>,
      %slice3A_540 = vector.extract_strided_slice %get3A_453 {offsets = [2], sizes = [1], strides = [1]} : vector<16xi32> to vector<1xi32>
      %squeeze3A_541 = vector.extract %slice3A_540[0] : i32 from vector<1xi32>
      %and3A_542 = arith.constant 127 : i32
      %and3A_543 = arith.andi %squeeze3A_541, %and3A_542 : i32
      %broadcast_in_dim3A_544 = vector.broadcast %and3A_543 : i32 to vector<16xi32>
      %broadcast_in_dim3A_545 = arith.constant 2 : i32
      %broadcast_in_dim3A_546 = vector.broadcast %broadcast_in_dim3A_545 : i32 to vector<16xi32>
      %add3A_547 = arith.constant 0 : i32
      %add3A_548 = vector.broadcast %add3A_547 : i32 to vector<16xi32>
      %add3A_549 = arith.addi %iota3A, %add3A_548 : vector<16xi32>
      %gather3A_550 = tpu.vector_load_idx %arg10[%broadcast_in_dim3A_546, %add3A_549, %broadcast_in_dim3A_544] : memref<4x64x128xf32, #tpu.memory_space<vmem>>[vector<16xi32>, vector<16xi32>, vector<16xi32>], vector<16xf32>,
      %broadcast_in_dim3A_551 = arith.constant 6 : i32
      %broadcast_in_dim3A_552 = vector.broadcast %broadcast_in_dim3A_551 : i32 to vector<16xi32>
      %add3A_553 = arith.constant 0 : i32
      %add3A_554 = vector.broadcast %add3A_553 : i32 to vector<16xi32>
      %add3A_555 = arith.addi %iota3A, %add3A_554 : vector<16xi32>
      tpu.vector_store_idx %arg11[%broadcast_in_dim3A_552, %add3A_555], %gather3A_550 : memref<8x64xf32, #tpu.memory_space<vmem>>[vector<16xi32>, vector<16xi32>], vector<16xf32>,
      %add3A_556 = arith.constant 16 : i32
      %add3A_557 = vector.broadcast %add3A_556 : i32 to vector<16xi32>
      %add3A_558 = arith.addi %iota3A, %add3A_557 : vector<16xi32>
      %gather3A_559 = tpu.vector_load_idx %arg10[%broadcast_in_dim3A_546, %add3A_558, %broadcast_in_dim3A_544] : memref<4x64x128xf32, #tpu.memory_space<vmem>>[vector<16xi32>, vector<16xi32>, vector<16xi32>], vector<16xf32>,
      %broadcast_in_dim3A_560 = arith.constant 6 : i32
      %broadcast_in_dim3A_561 = vector.broadcast %broadcast_in_dim3A_560 : i32 to vector<16xi32>
      %add3A_562 = arith.constant 16 : i32
      %add3A_563 = vector.broadcast %add3A_562 : i32 to vector<16xi32>
      %add3A_564 = arith.addi %iota3A, %add3A_563 : vector<16xi32>
      tpu.vector_store_idx %arg11[%broadcast_in_dim3A_561, %add3A_564], %gather3A_559 : memref<8x64xf32, #tpu.memory_space<vmem>>[vector<16xi32>, vector<16xi32>], vector<16xf32>,
      %add3A_565 = arith.constant 32 : i32
      %add3A_566 = vector.broadcast %add3A_565 : i32 to vector<16xi32>
      %add3A_567 = arith.addi %iota3A, %add3A_566 : vector<16xi32>
      %gather3A_568 = tpu.vector_load_idx %arg10[%broadcast_in_dim3A_546, %add3A_567, %broadcast_in_dim3A_544] : memref<4x64x128xf32, #tpu.memory_space<vmem>>[vector<16xi32>, vector<16xi32>, vector<16xi32>], vector<16xf32>,
      %broadcast_in_dim3A_569 = arith.constant 6 : i32
      %broadcast_in_dim3A_570 = vector.broadcast %broadcast_in_dim3A_569 : i32 to vector<16xi32>
      %add3A_571 = arith.constant 32 : i32
      %add3A_572 = vector.broadcast %add3A_571 : i32 to vector<16xi32>
      %add3A_573 = arith.addi %iota3A, %add3A_572 : vector<16xi32>
      tpu.vector_store_idx %arg11[%broadcast_in_dim3A_570, %add3A_573], %gather3A_568 : memref<8x64xf32, #tpu.memory_space<vmem>>[vector<16xi32>, vector<16xi32>], vector<16xf32>,
      %add3A_574 = arith.constant 48 : i32
      %add3A_575 = vector.broadcast %add3A_574 : i32 to vector<16xi32>
      %add3A_576 = arith.addi %iota3A, %add3A_575 : vector<16xi32>
      %gather3A_577 = tpu.vector_load_idx %arg10[%broadcast_in_dim3A_546, %add3A_576, %broadcast_in_dim3A_544] : memref<4x64x128xf32, #tpu.memory_space<vmem>>[vector<16xi32>, vector<16xi32>, vector<16xi32>], vector<16xf32>,
      %broadcast_in_dim3A_578 = arith.constant 6 : i32
      %broadcast_in_dim3A_579 = vector.broadcast %broadcast_in_dim3A_578 : i32 to vector<16xi32>
      %add3A_580 = arith.constant 48 : i32
      %add3A_581 = vector.broadcast %add3A_580 : i32 to vector<16xi32>
      %add3A_582 = arith.addi %iota3A, %add3A_581 : vector<16xi32>
      tpu.vector_store_idx %arg11[%broadcast_in_dim3A_579, %add3A_582], %gather3A_577 : memref<8x64xf32, #tpu.memory_space<vmem>>[vector<16xi32>, vector<16xi32>], vector<16xf32>,
      %slice3A_583 = vector.extract_strided_slice %get3A_453 {offsets = [3], sizes = [1], strides = [1]} : vector<16xi32> to vector<1xi32>
      %squeeze3A_584 = vector.extract %slice3A_583[0] : i32 from vector<1xi32>
      %and3A_585 = arith.constant 127 : i32
      %and3A_586 = arith.andi %squeeze3A_584, %and3A_585 : i32
      %broadcast_in_dim3A_587 = vector.broadcast %and3A_586 : i32 to vector<16xi32>
      %broadcast_in_dim3A_588 = arith.constant 3 : i32
      %broadcast_in_dim3A_589 = vector.broadcast %broadcast_in_dim3A_588 : i32 to vector<16xi32>
      %add3A_590 = arith.constant 0 : i32
      %add3A_591 = vector.broadcast %add3A_590 : i32 to vector<16xi32>
      %add3A_592 = arith.addi %iota3A, %add3A_591 : vector<16xi32>
      %gather3A_593 = tpu.vector_load_idx %arg10[%broadcast_in_dim3A_589, %add3A_592, %broadcast_in_dim3A_587] : memref<4x64x128xf32, #tpu.memory_space<vmem>>[vector<16xi32>, vector<16xi32>, vector<16xi32>], vector<16xf32>,
      %broadcast_in_dim3A_594 = arith.constant 7 : i32
      %broadcast_in_dim3A_595 = vector.broadcast %broadcast_in_dim3A_594 : i32 to vector<16xi32>
      %add3A_596 = arith.constant 0 : i32
      %add3A_597 = vector.broadcast %add3A_596 : i32 to vector<16xi32>
      %add3A_598 = arith.addi %iota3A, %add3A_597 : vector<16xi32>
      tpu.vector_store_idx %arg11[%broadcast_in_dim3A_595, %add3A_598], %gather3A_593 : memref<8x64xf32, #tpu.memory_space<vmem>>[vector<16xi32>, vector<16xi32>], vector<16xf32>,
      %add3A_599 = arith.constant 16 : i32
      %add3A_600 = vector.broadcast %add3A_599 : i32 to vector<16xi32>
      %add3A_601 = arith.addi %iota3A, %add3A_600 : vector<16xi32>
      %gather3A_602 = tpu.vector_load_idx %arg10[%broadcast_in_dim3A_589, %add3A_601, %broadcast_in_dim3A_587] : memref<4x64x128xf32, #tpu.memory_space<vmem>>[vector<16xi32>, vector<16xi32>, vector<16xi32>], vector<16xf32>,
      %broadcast_in_dim3A_603 = arith.constant 7 : i32
      %broadcast_in_dim3A_604 = vector.broadcast %broadcast_in_dim3A_603 : i32 to vector<16xi32>
      %add3A_605 = arith.constant 16 : i32
      %add3A_606 = vector.broadcast %add3A_605 : i32 to vector<16xi32>
      %add3A_607 = arith.addi %iota3A, %add3A_606 : vector<16xi32>
      tpu.vector_store_idx %arg11[%broadcast_in_dim3A_604, %add3A_607], %gather3A_602 : memref<8x64xf32, #tpu.memory_space<vmem>>[vector<16xi32>, vector<16xi32>], vector<16xf32>,
      %add3A_608 = arith.constant 32 : i32
      %add3A_609 = vector.broadcast %add3A_608 : i32 to vector<16xi32>
      %add3A_610 = arith.addi %iota3A, %add3A_609 : vector<16xi32>
      %gather3A_611 = tpu.vector_load_idx %arg10[%broadcast_in_dim3A_589, %add3A_610, %broadcast_in_dim3A_587] : memref<4x64x128xf32, #tpu.memory_space<vmem>>[vector<16xi32>, vector<16xi32>, vector<16xi32>], vector<16xf32>,
      %broadcast_in_dim3A_612 = arith.constant 7 : i32
      %broadcast_in_dim3A_613 = vector.broadcast %broadcast_in_dim3A_612 : i32 to vector<16xi32>
      %add3A_614 = arith.constant 32 : i32
      %add3A_615 = vector.broadcast %add3A_614 : i32 to vector<16xi32>
      %add3A_616 = arith.addi %iota3A, %add3A_615 : vector<16xi32>
      tpu.vector_store_idx %arg11[%broadcast_in_dim3A_613, %add3A_616], %gather3A_611 : memref<8x64xf32, #tpu.memory_space<vmem>>[vector<16xi32>, vector<16xi32>], vector<16xf32>,
      %add3A_617 = arith.constant 48 : i32
      %add3A_618 = vector.broadcast %add3A_617 : i32 to vector<16xi32>
      %add3A_619 = arith.addi %iota3A, %add3A_618 : vector<16xi32>
      %gather3A_620 = tpu.vector_load_idx %arg10[%broadcast_in_dim3A_589, %add3A_619, %broadcast_in_dim3A_587] : memref<4x64x128xf32, #tpu.memory_space<vmem>>[vector<16xi32>, vector<16xi32>, vector<16xi32>], vector<16xf32>,
      %broadcast_in_dim3A_621 = arith.constant 7 : i32
      %broadcast_in_dim3A_622 = vector.broadcast %broadcast_in_dim3A_621 : i32 to vector<16xi32>
      %add3A_623 = arith.constant 48 : i32
      %add3A_624 = vector.broadcast %add3A_623 : i32 to vector<16xi32>
      %add3A_625 = arith.addi %iota3A, %add3A_624 : vector<16xi32>
      tpu.vector_store_idx %arg11[%broadcast_in_dim3A_622, %add3A_625], %gather3A_620 : memref<8x64xf32, #tpu.memory_space<vmem>>[vector<16xi32>, vector<16xi32>], vector<16xf32>,
      %mul3A_626 = arith.constant 4 : i32
      %mul3A_627 = arith.muli %mul3A_173, %mul3A_626 : i32
      %add3A_628 = arith.addi %mul3A_2, %mul3A_627 : i32
      "tpu.region"() ({
        %run_scoped3A = tpu.sem_alloc : memref<!tpu.dma_semaphore, #tpu.memory_space<semaphore_mem>>
        %dma_start3A_629 = arith.constant 0 : i32
        %dma_start3A_630 = tpu.memref_slice %arg7[%add3A_628, %dma_start3A_629] : memref<16384x64xf32, #tpu.memory_space<hbm>> -> memref<8x64xf32, #tpu.memory_space<hbm>>
        %dma_start3A_631 = arith.constant 0 : i32
        %dma_start3A_632 = tpu.memref_slice %arg7[%add3A_628, %dma_start3A_631] : memref<16384x64xf32, #tpu.memory_space<hbm>> -> memref<8x64xf32, #tpu.memory_space<hbm>>
        tpu.enqueue_dma source(%arg11 : memref<8x64xf32, #tpu.memory_space<vmem>>) target(%dma_start3A_632 : memref<8x64xf32, #tpu.memory_space<hbm>>) target_semaphore(%run_scoped3A : memref<!tpu.dma_semaphore, #tpu.memory_space<semaphore_mem>>)
        %dma_wait3A_633 = arith.constant 0 : i32
        %dma_wait3A_634 = tpu.memref_slice %arg7[%add3A_628, %dma_wait3A_633] : memref<16384x64xf32, #tpu.memory_space<hbm>> -> memref<8x64xf32, #tpu.memory_space<hbm>>
        %dma_wait3A_635 = arith.constant 0 : i32
        %dma_wait3A_636 = tpu.memref_slice %arg7[%add3A_628, %dma_wait3A_635] : memref<16384x64xf32, #tpu.memory_space<hbm>> -> memref<8x64xf32, #tpu.memory_space<hbm>>
        tpu.wait_dma2 semaphore(%run_scoped3A : memref<!tpu.dma_semaphore, #tpu.memory_space<semaphore_mem>>) src(%arg11 : memref<8x64xf32, #tpu.memory_space<vmem>>) dst(%dma_wait3A_636 : memref<8x64xf32, #tpu.memory_space<hbm>>)
        tpu.yield
      }) : () -> ()
    }
    %scan3A_170 = arith.constant 64 : i32
    return
  }
}

module attributes {stable_mosaic.version = 14 : i64} {
  func.func @_mlp_body(%arg0: i32, %arg1: memref<2048x64xf32, #tpu.memory_space<vmem>>, %arg2: memref<2048x64xf32, #tpu.memory_space<vmem>>, %arg3: memref<64x64xf32, #tpu.memory_space<vmem>>, %arg4: memref<64x64xf32, #tpu.memory_space<vmem>>, %arg5: memref<1x64xf32, #tpu.memory_space<vmem>>, %arg6: memref<64x32xf32, #tpu.memory_space<vmem>>, %arg7: memref<1x32xf32, #tpu.memory_space<vmem>>, %arg8: memref<1x32xf32, #tpu.memory_space<vmem>>, %arg9: memref<1x1xf32, #tpu.memory_space<vmem>>, %arg10: memref<2048x1xf32, #tpu.memory_space<vmem>>) attributes {dimension_semantics = [#tpu.dimension_semantics<arbitrary>], iteration_bounds = array<i64: 8>, scalar_prefetch = 0 : i64, scratch_operands = 0 : i64, tpu.core_type = #tpu.core_type<tc>, window_params = [{transform_indices = @transform_0, window_bounds = array<i64: 2048, 64>}, {transform_indices = @transform_1, window_bounds = array<i64: 2048, 64>}, {pipeline_mode = #tpu.pipeline_mode<synchronous>, transform_indices = @transform_2, window_bounds = array<i64: 64, 64>}, {pipeline_mode = #tpu.pipeline_mode<synchronous>, transform_indices = @transform_3, window_bounds = array<i64: 64, 64>}, {pipeline_mode = #tpu.pipeline_mode<synchronous>, transform_indices = @transform_4, window_bounds = array<i64: 1, 64>}, {pipeline_mode = #tpu.pipeline_mode<synchronous>, transform_indices = @transform_5, window_bounds = array<i64: 64, 32>}, {pipeline_mode = #tpu.pipeline_mode<synchronous>, transform_indices = @transform_6, window_bounds = array<i64: 1, 32>}, {pipeline_mode = #tpu.pipeline_mode<synchronous>, transform_indices = @transform_7, window_bounds = array<i64: 1, 32>}, {pipeline_mode = #tpu.pipeline_mode<synchronous>, transform_indices = @transform_8, window_bounds = array<i64: 1, 1>}, {transform_indices = @transform_9, window_bounds = array<i64: 2048, 1>}]} {
    %get3A = arith.constant 0 : index
    %get3A_0 = arith.constant 0 : index
    %get3A_1 = vector.load %arg1[%get3A, %get3A_0] : memref<2048x64xf32, #tpu.memory_space<vmem>>, vector<2048x64xf32>
    %get3A_2 = arith.constant 0 : index
    %get3A_3 = arith.constant 0 : index
    %get3A_4 = vector.load %arg3[%get3A_2, %get3A_3] : memref<64x64xf32, #tpu.memory_space<vmem>>, vector<64x64xf32>
    %dot_general3A = arith.constant dense<0.000000e+00> : vector<2048x64xf32>
    %dot_general3A_5 = tpu.matmul %get3A_1, %get3A_4, %dot_general3A {dimension_numbers = #tpu.dot_dimension_numbers<[1], [0], [0], [1], [0, 0, 1, 1], [], []>, transpose_lhs_hint = false} : vector<2048x64xf32>, vector<64x64xf32>, vector<2048x64xf32> -> vector<2048x64xf32>
    %get3A_6 = arith.constant 0 : index
    %get3A_7 = arith.constant 0 : index
    %get3A_8 = vector.load %arg2[%get3A_6, %get3A_7] : memref<2048x64xf32, #tpu.memory_space<vmem>>, vector<2048x64xf32>
    %get3A_9 = arith.constant 0 : index
    %get3A_10 = arith.constant 0 : index
    %get3A_11 = vector.load %arg4[%get3A_9, %get3A_10] : memref<64x64xf32, #tpu.memory_space<vmem>>, vector<64x64xf32>
    %dot_general3A_12 = arith.constant dense<0.000000e+00> : vector<2048x64xf32>
    %dot_general3A_13 = tpu.matmul %get3A_8, %get3A_11, %dot_general3A_12 {dimension_numbers = #tpu.dot_dimension_numbers<[1], [0], [0], [1], [0, 0, 1, 1], [], []>, transpose_lhs_hint = false} : vector<2048x64xf32>, vector<64x64xf32>, vector<2048x64xf32> -> vector<2048x64xf32>
    %add3A = arith.addf %dot_general3A_5, %dot_general3A_13 : vector<2048x64xf32>
    %get3A_14 = arith.constant 0 : index
    %get3A_15 = arith.constant 0 : index
    %get3A_16 = vector.load %arg5[%get3A_14, %get3A_15] : memref<1x64xf32, #tpu.memory_space<vmem>>, vector<1x64xf32>
    %add3A_17 = vector.broadcast %get3A_16 : vector<1x64xf32> to vector<2048x64xf32>
    %add3A_18 = arith.addf %add3A, %add3A_17 : vector<2048x64xf32>
    %max3A = arith.constant 0.000000e+00 : f32
    %max3A_19 = vector.broadcast %max3A : f32 to vector<2048x64xf32>
    %max3A_20 = arith.maximumf %add3A_18, %max3A_19 : vector<2048x64xf32>
    %get3A_21 = arith.constant 0 : index
    %get3A_22 = arith.constant 0 : index
    %get3A_23 = vector.load %arg6[%get3A_21, %get3A_22] : memref<64x32xf32, #tpu.memory_space<vmem>>, vector<64x32xf32>
    %dot_general3A_24 = arith.constant dense<0.000000e+00> : vector<2048x32xf32>
    %dot_general3A_25 = tpu.matmul %max3A_20, %get3A_23, %dot_general3A_24 {dimension_numbers = #tpu.dot_dimension_numbers<[1], [0], [0], [1], [0, 0, 1, 1], [], []>, transpose_lhs_hint = false} : vector<2048x64xf32>, vector<64x32xf32>, vector<2048x32xf32> -> vector<2048x32xf32>
    %get3A_26 = arith.constant 0 : index
    %get3A_27 = arith.constant 0 : index
    %get3A_28 = vector.load %arg7[%get3A_26, %get3A_27] : memref<1x32xf32, #tpu.memory_space<vmem>>, vector<1x32xf32>
    %add3A_29 = vector.broadcast %get3A_28 : vector<1x32xf32> to vector<2048x32xf32>
    %add3A_30 = arith.addf %dot_general3A_25, %add3A_29 : vector<2048x32xf32>
    %max3A_31 = arith.constant 0.000000e+00 : f32
    %max3A_32 = vector.broadcast %max3A_31 : f32 to vector<2048x32xf32>
    %max3A_33 = arith.maximumf %add3A_30, %max3A_32 : vector<2048x32xf32>
    %get3A_34 = arith.constant 0 : index
    %get3A_35 = arith.constant 0 : index
    %get3A_36 = vector.load %arg8[%get3A_34, %get3A_35] : memref<1x32xf32, #tpu.memory_space<vmem>>, vector<1x32xf32>
    %mul3A = vector.broadcast %get3A_36 : vector<1x32xf32> to vector<2048x32xf32>
    %mul3A_37 = arith.mulf %max3A_33, %mul3A : vector<2048x32xf32>
    %reduce_sum3A = arith.constant dense<0.000000e+00> : vector<2048xf32>
    %reduce_sum3A_38 = vector.multi_reduction <add>, %mul3A_37, %reduce_sum3A [1] : vector<2048x32xf32> to vector<2048xf32>
    %broadcast_in_dim3A = vector.shape_cast %reduce_sum3A_38 : vector<2048xf32> to vector<2048x1xf32>
    %get3A_39 = arith.constant 0 : index
    %get3A_40 = arith.constant 0 : index
    %get3A_41 = vector.load %arg9[%get3A_39, %get3A_40] : memref<1x1xf32, #tpu.memory_space<vmem>>, vector<1x1xf32>
    %add3A_42 = vector.broadcast %get3A_41 : vector<1x1xf32> to vector<2048x1xf32>
    %add3A_43 = arith.addf %broadcast_in_dim3A, %add3A_42 : vector<2048x1xf32>
    %swap3A = arith.constant 0 : index
    %swap3A_44 = arith.constant 0 : index
    %swap3A_45 = vector.load %arg10[%swap3A, %swap3A_44] : memref<2048x1xf32, #tpu.memory_space<vmem>>, vector<2048x1xf32>
    tpu.vector_store %arg10[%swap3A, %swap3A_44], %add3A_43 {strides = array<i32>} : memref<2048x1xf32, #tpu.memory_space<vmem>>, vector<2048x1xf32>,
    return
  }
  func.func @transform_0(%arg0: i32) -> (i32, i32) {
    %c0_i32 = arith.constant 0 : i32
    %c0_i32_0 = arith.constant 0 : i32
    return %arg0, %c0_i32 : i32, i32
  }
  func.func @transform_1(%arg0: i32) -> (i32, i32) {
    %c0_i32 = arith.constant 0 : i32
    %c0_i32_0 = arith.constant 0 : i32
    return %arg0, %c0_i32 : i32, i32
  }
  func.func @transform_2(%arg0: i32) -> (i32, i32) {
    %c0_i32 = arith.constant 0 : i32
    %c0_i32_0 = arith.constant 0 : i32
    %c0_i32_1 = arith.constant 0 : i32
    return %c0_i32, %c0_i32_0 : i32, i32
  }
  func.func @transform_3(%arg0: i32) -> (i32, i32) {
    %c0_i32 = arith.constant 0 : i32
    %c0_i32_0 = arith.constant 0 : i32
    %c0_i32_1 = arith.constant 0 : i32
    return %c0_i32, %c0_i32_0 : i32, i32
  }
  func.func @transform_4(%arg0: i32) -> (i32, i32) {
    %c0_i32 = arith.constant 0 : i32
    %c0_i32_0 = arith.constant 0 : i32
    %c0_i32_1 = arith.constant 0 : i32
    return %c0_i32, %c0_i32_0 : i32, i32
  }
  func.func @transform_5(%arg0: i32) -> (i32, i32) {
    %c0_i32 = arith.constant 0 : i32
    %c0_i32_0 = arith.constant 0 : i32
    %c0_i32_1 = arith.constant 0 : i32
    return %c0_i32, %c0_i32_0 : i32, i32
  }
  func.func @transform_6(%arg0: i32) -> (i32, i32) {
    %c0_i32 = arith.constant 0 : i32
    %c0_i32_0 = arith.constant 0 : i32
    %c0_i32_1 = arith.constant 0 : i32
    return %c0_i32, %c0_i32_0 : i32, i32
  }
  func.func @transform_7(%arg0: i32) -> (i32, i32) {
    %c0_i32 = arith.constant 0 : i32
    %c0_i32_0 = arith.constant 0 : i32
    %c0_i32_1 = arith.constant 0 : i32
    return %c0_i32, %c0_i32_0 : i32, i32
  }
  func.func @transform_8(%arg0: i32) -> (i32, i32) {
    %c0_i32 = arith.constant 0 : i32
    %c0_i32_0 = arith.constant 0 : i32
    %c0_i32_1 = arith.constant 0 : i32
    return %c0_i32, %c0_i32_0 : i32, i32
  }
  func.func @transform_9(%arg0: i32) -> (i32, i32) {
    %c0_i32 = arith.constant 0 : i32
    %c0_i32_0 = arith.constant 0 : i32
    return %arg0, %c0_i32 : i32, i32
  }
}

</mosaic_0001>

<sc_bundles>
// kernel: kernel.4.cloned.1.call-start
scs
__scs_entry_jumppad:
0x0: {  	(pc) =	sbr.rel $0x88, $3  }
0x1: {  	(tag) =	ssettag $0x0;
	lr =	simm.s32 $0x1  }
0x2: {  	[smem:$0x3F97] =	sst lr;
	_ =	strace $0xD0000000  }
0x3: {  	_ = 	snop  }
0x4: {  	_ = 	snop  }
0x5: {  	_ = 	snop  }
0x6: {  	_ = 	snop  }
0x7: {  	_ = 	snop  }
__scs_overlays_trampoline_lowered:
0x8: {  	[smem:$0x3FA6] =	sst s0  }
0x9: {  	[smem:$0x3FA7] =	sst s1  }
0xa: {  	[smem:$0x3FA8] =	sst s2  }
0xb: {  	[smem:$0x3FA9] =	sst s3  }
0xc: {  	[smem:$0x3FAA] =	sst s4  }
0xd: {  	[smem:$0x3FAB] =	sst s5  }
0xe: {  	[smem:$0x3FAC] =	sst s6  }
0xf: {  	[smem:$0x3FAD] =	sst s7  }
0x10: {  	[smem:$0x3FAE] =	sst s8  }
0x11: {  	[smem:$0x3FAF] =	sst s9;
	s0 =	simm.s32 @!p0 $0x0  }
0x12: {  	s1 =	sld [smem:$0x3F95];
	s0 =	simm.s32 @p0 $0x1  }
0x13: {  	[smem:$0x3FB0] =	sst s0;
	s0 =	simm.s32 @!p1 $0x0  }
0x14: {  	s2 =	sld [smem:$0x3F94];
	s0 =	simm.s32 @p1 $0x1  }
0x15: {  	[smem:$0x3FB1] =	sst s0;
	s0 =	simm.s32 @!p2 $0x0  }
0x16: {  	s3 =	sld [smem:$0x3FDB];
	s0 =	simm.s32 @p2 $0x1  }
0x17: {  	s4 =	simm.s32 $0x1BF5;
	[smem:$0x3FB3] =	sst s0  }
0x18: {  	s0 =	sld [smem:$0x3F96];
	_ =	swait.ge [sflag:s4], $0x0  }
0x19: {  	s7 =	sld [smem:$0x3F97]  }
0x1a: {  	s8 =	sadd.s32 $0xFFFFE003, lr  }
0x1b: {  	s9 =	sadd.s32 $0xFFFFFEF7, lr;
	s5 =	simm.s32 $0xFFFFFFFF;
	p2 =	slt.u32 s8, $0xFFFFF086  }
0x1c: {  	p1 =	slt.u32 s9, $0xF7A;
	s5 =	simm.s32 @!p2 $0x0  }
0x1d: {  	s5 =	simm.s32 @p1 $0x1;
	p0 =	seq.s32 s7, s2  }
0x1e: {  	s7 =	smul.u32 @!p0 $0xF7A, s2;
	p2 =	seq.s32 @!p0 s5, $0x0  }
0x1f: {  	s9 =	smul.u32 $0xF7A, s1;
	s8 =	simm.s32 @!p0 $0x1BF5;
	p2 =	por !p2, p0  }
0x20: {  	[sflag:s8] =	ssyncset.s32 @!p0 $0xFFFFF086;
	s6 =	sadd.s32 @!p0 s3, s7;
	s7 =	simm.s32 @!p0 $0x108  }
0x21: {  	s3 =	sadd.s32 s3, s9;
	s6 =	sadd.s32 @!p0 $0x88, s6;
	s7 =	simm.s32 @p2 $0x1082  }
0x22: {  	[simem:s7], [sflag:s8] =	dma.local @!p0 [hbm:s6], $0xF7A  }
0x23: {  	s9 =	sor.u32 $0xD0000000, s2;
	s6 =	simm.s32 $0x108;
	_ =	swait.ge @!p0 [sflag:s8], $0x0  }
0x24: {  	s3 =	sadd.s32 $0x88, s3;
	s6 =	simm.s32 @!p1 $0x1082;
	[sflag:s4] =	ssyncset.s32 $0xFFFFF086  }
0x25: {  	[simem:s6], [sflag:s4] =	dma.local [hbm:s3], $0xF7A  }
0x26: {  	[smem:$0x3F97] =	sst s1;
	(tag) =	ssettag s2;
	_ =	strace s9  }
0x27: {  	s1 =	sld [smem:$0x3FA7]  }
0x28: {  	s2 =	sld [smem:$0x3FA8]  }
0x29: {  	s4 =	sld [smem:$0x3FAA]  }
0x2a: {  	p0 =	seq.s32 s5, $0x0;
	s5 =	sld [smem:$0x3FAB]  }
0x2b: {  	s6 =	sld [smem:$0x3FAC]  }
0x2c: {  	s7 =	sld [smem:$0x3FAD]  }
0x2d: {  	s3 =	simm.s32 $0x108;
	s8 =	sld [smem:$0x3FAE]  }
0x2e: {  	s3 =	simm.s32 @!p0 $0x1082;
	s9 =	sld [smem:$0x3FAF]  }
0x2f: {  	lr =	sadd.s32 s0, s3;
	s0 =	sld [smem:$0x3FA6]  }
0x30: {  	s3 =	sld [smem:$0x3FA9]  }
0x31: {  	[smem:$0x3FB2] =	sst s10  }
0x32: {  	s10 =	sld [smem:$0x3FB0];
	_ =	sdelay $0x3  }
0x33: {  	p0 =	seq.s32 s10, $0x1;
	s10 =	sld [smem:$0x3FB2];
	_ =	sdelay $0x3  }
0x34: {  	[smem:$0x3FB2] =	sst s10  }
0x35: {  	s10 =	sld [smem:$0x3FB1];
	_ =	sdelay $0x3  }
0x36: {  	p1 =	seq.s32 s10, $0x1;
	s10 =	sld [smem:$0x3FB2];
	_ =	sdelay $0x3  }
0x37: {  	[smem:$0x3FB2] =	sst s10  }
0x38: {  	s10 =	sld [smem:$0x3FB3]  }
0x39: {  	_ = 	snop;
	(pc) =	sbr.ind lr, $3  }
0x3a: {  	_ = 	snop  }
0x3b: {  	_ = 	snop  }
0x3c: {  	p2 =	seq.s32 s10, $0x1;
	s10 =	sld [smem:$0x3FB2]  }
0x3d: {  	_ =	shalt  }
0x3e: {  	_ =	shalt  }
0x3f: {  	_ =	shalt  }
0x40: {  	_ =	shalt  }
0x41: {  	_ =	shalt  }
0x42: {  	_ =	shalt  }
0x43: {  	_ =	shalt  }
0x44: {  	_ =	shalt  }
0x45: {  	_ =	shalt  }
0x46: {  	_ =	shalt  }
0x47: {  	_ =	shalt  }
0x48: {  	_ =	shalt  }
0x49: {  	_ =	shalt  }
0x4a: {  	_ =	shalt  }
0x4b: {  	_ =	shalt  }
0x4c: {  	_ =	shalt  }
0x4d: {  	_ =	shalt  }
0x4e: {  	_ =	shalt  }
0x4f: {  	_ =	shalt  }
0x50: {  	_ =	shalt  }
0x51: {  	_ =	shalt  }
0x52: {  	_ =	shalt  }
0x53: {  	_ =	shalt  }
0x54: {  	_ =	shalt  }
0x55: {  	_ =	shalt  }
0x56: {  	_ =	shalt  }
0x57: {  	_ =	shalt  }
0x58: {  	_ =	shalt  }
0x59: {  	_ =	shalt  }
0x5a: {  	_ =	shalt  }
0x5b: {  	_ =	shalt  }
0x5c: {  	_ =	shalt  }
0x5d: {  	_ =	shalt  }
0x5e: {  	_ =	shalt  }
0x5f: {  	_ =	shalt  }
0x60: {  	_ =	shalt  }
0x61: {  	_ =	shalt  }
0x62: {  	_ =	shalt  }
0x63: {  	_ =	shalt  }
0x64: {  	_ =	shalt  }
0x65: {  	_ =	shalt  }
0x66: {  	_ =	shalt  }
0x67: {  	_ =	shalt  }
0x68: {  	_ =	shalt  }
0x69: {  	_ =	shalt  }
0x6a: {  	_ =	shalt  }
0x6b: {  	_ =	shalt  }
0x6c: {  	_ =	shalt  }
0x6d: {  	_ =	shalt  }
0x6e: {  	_ =	shalt  }
0x6f: {  	_ =	shalt  }
0x70: {  	_ =	shalt  }
0x71: {  	_ =	shalt  }
0x72: {  	_ =	shalt  }
0x73: {  	_ =	shalt  }
0x74: {  	_ =	shalt  }
0x75: {  	_ =	shalt  }
0x76: {  	_ =	shalt  }
0x77: {  	_ =	shalt  }
0x78: {  	_ =	shalt  }
0x79: {  	_ =	shalt  }
0x7a: {  	_ =	shalt  }
0x7b: {  	_ =	shalt  }
0x7c: {  	_ =	shalt  }
0x7d: {  	_ =	shalt  }
0x7e: {  	_ =	shalt  }
0x7f: {  	_ =	shalt  }
0x80: {  	_ =	shalt  }
0x81: {  	_ =	shalt  }
0x82: {  	_ =	shalt  }
0x83: {  	_ =	shalt  }
0x84: {  	_ =	shalt  }
0x85: {  	_ =	shalt  }
0x86: {  	_ =	shalt  }
0x87: {  	_ =	shalt  }
.Lfunc_end0:
.L_simem_size_0:
called_computation_lowered:
.L_overlay_start_0:
0x88: {  	s2 =	sld [smem:$0x3FD9]  }
0x89: {  	s3 =	sld [smem:$0x3FFE];
	_ =	sdelay $0x1  }
0x8a: {  	s1 =	srdreg.scid  }
0x8b: {  	s0 =	sand.u32 $0x1, s1  }
0x8c: {  	s17 =	sshll.u32 s0, $0xA;
	s2 =	sadd.s32 s3, s2  }
0x8d: {  	s2 =	sadd.s32 s2, s17  }
0x8e: {  	[smem:$0x3FBE] =	sst s2  }
0x8f: {  	_ = 	snop  }
0x90: {  	s2 =	sld [smem:$0x3FC9]  }
0x91: {  	s18 =	sld [smem:$0x3FC8]  }
0x92: {  	s4 =	sld [smem:$0x3FC7]  }
0x93: {  	s5 =	sld [smem:$0x3FC6];
	(tm) =	ssettm $0x1  }
0x94: {  	s6 =	sld [smem:$0x3FFB];
	_ =	sdelay $0x3  }
0x95: {  	_ =	strace s6  }
0x96: {  	s6 =	sld [smem:$0x3FFC];
	_ =	sdelay $0x3  }
0x97: {  	_ =	strace s6  }
0x98: {  	s6 =	sld [smem:$0x3FFD];
	_ =	sdelay $0x3  }
0x99: {  	_ =	strace s6  }
0x9a: {  	_ =	strace $0x8FFFFFFF  }
0x9b: {  	s19 =	sld [smem:$0x3FDB];
	_ =	sdelay $0x1  }
0x9c: {  	s7 =	simm.s32 $_scs_section_size  }
0x9d: {  	s8 =	simm.s32 $_size__tile_overlayer_lowered;
	s9 =	simm.s32 $_tile_overlayer_lowered  }
0x9e: {  	s22 =	simm.s32 $0x1BFF;
	s21 =	sshll.u32 s9, $0x1;
	s6 =	sadd.s32 s7, s19  }
0x9f: {  	s10 =	simm.s32 $0x0;
	s20 =	sshll.u32 s8, $0x1;
	s8 =	sadd.s32 s21, s6  }
0xa0: {  	[timem:s10], [sflag:s22] =	dma.local [hbm:s8], s20  }
0xa1: {  	_ =	swait.ge [sflag:s22], s20  }
0xa2: {  	s7 =	ssub.s32 $0x0, s20;
	[sflag:s22] =	ssyncset.done $0x0  }
0xa3: {  	[sflag:s22] =	ssyncadd.s32 s7;
	_ =	sdelay $0x1  }
0xa4: {  	s23 =	simm.s32 $0x1B8B  }
0xa5: {  	_ =	swait.ge [sflag:s23], $0x1  }
0xa6: {  	[sflag:s23] =	ssyncset.done $0x0  }
0xa7: {  	s25 =	simm.s32 $0x1B8E;
	s24 =	sld [smem:$0x3FFE];
	[sflag:s23] =	ssyncadd.s32 $0xFFFFFFFF  }
0xa8: {  	s26 =	simm.s32 $execute0_lowered;
	[smem:$0x3FD2] =	sst s25  }
0xa9: {  	s8 =	sshll.u32 s26, $0x1;
	_ =	strace $0x80000046;
	[dreg:$0x1] =	wrdreg $0xFFFFFFFF  }
0xaa: {  	s28 =	simm.s32 $_size_execute0_lowered;
	s6 =	sadd.s32 s6, s8;
	[dreg:$0x0] =	wrdreg $0x0  }
0xab: {  	s8 =	sshll.u32 s28, $0x1;
	[dreg:$0x2] =	wrdreg s6  }
0xac: {  	[dreg:$0x3] =	wrdreg s8  }
0xad: {  	[dreg:$0x4] =	wrdreg $0xC0  }
0xae: {  	_ =	task [dreg:s10], $0x5FFFF  }
0xaf: {  	[dreg:$0x1] =	wrdreg $0xFFFFFFFF  }
0xb0: {  	[dreg:$0x0] =	wrdreg $0x60  }
0xb1: {  	[dreg:$0x2] =	wrdreg s2  }
0xb2: {  	[dreg:$0x3] =	wrdreg s18  }
0xb3: {  	[dreg:$0x4] =	wrdreg s4  }
0xb4: {  	[dreg:$0x5] =	wrdreg s5  }
0xb5: {  	[dreg:$0x6] =	wrdreg s24  }
0xb6: {  	[dreg:$0x7] =	wrdreg $0x9  }
0xb7: {  	_ =	task.clear_ibuf [dreg:s10], $0x8FFFF;
	_ =	strace $0x90000046  }
0xb8: {  	s29 =	simm.s32 $0x9;
	_ =	strace $0x80000048  }
0xb9: {  	_ =	swait.ge [sflag:s29], $0x1  }
0xba: {  	[sflag:s29] =	ssyncadd.s32 $0xFFFFFFFF  }
0xbb: {  	_ =	strace $0x90000048  }
0xbc: {  	_ =	sfence  }
0xbd: {  	s30 =	sld [smem:$0x0];
	_ =	sdelay $0x2  }
0xbe: {  	s31 =	sshll.u32 s1, $0xD;
	s1 =	sshrl.u32 s1, $0x2  }
0xbf: {  	s3 =	sand.u32 $0x4000, s31;
	s1 =	sadd.s32 s1, s30  }
0xc0: {  	s0 =	sor.u32 s3, s0;
	s1 =	sshll.u32 s1, $0x11  }
0xc1: {  	s0 =	sor.u32 s1, s0  }
0xc2: {  	s0 =	sadd.s32 $0x8F2B, s0  }
0xc3: {  	[sflag:s0] =	ssyncadd.remote.s32 $0x1  }
0xc4: {  	_ =	sfence.sel $0xFFFF  }
0xc5: {  	[dreg:$0x0] =	wrdreg $0xFFFFFFFF;
	(pc) =	sbr.abs _section_cstart, $3  }
0xc6: {  	[dreg:$0x1] =	wrdreg $0xFFFFFFFF  }
0xc7: {  	_ =	task.clear_ibuf [dreg:s10], $0x2FFFF;
	_ =	strace $0x9FFFFFFF  }
0xc8: {  	(tm) =	ssettm $0x7FFFFFFF  }
0xc9: {  	_ =	shalt  }
tec
execute0_lowered:
.L_overlay_start_1:
0x0: {  	(tag) =	ssettag $0x1  }
0x1: {  	s5 =	rddreg [dreg:$0x0]  }
0x2: {  	s6 =	rddreg [dreg:$0x1]  }
0x3: {  	v0 =	vlaneseq.u32;
	s0 =	rddreg [dreg:$0x2]  }
0x4: {  	s2 =	rddreg [dreg:$0x3];
	v1 =	vmul.u32 $0x80, v0;
	v3 =	vor.u32 $0x10, v0;
	v5 =	vor.u32 $0x20, v0  }
0x5: {  	s7 =	rddreg [dreg:$0x4];
	v7 =	vor.u32 $0x30, v0;
	v9 =	vor.u32 $0x80, v0;
	v11 =	vor.u32 $0x90, v0  }
0x6: {  	s1 =	rddreg [dreg:$0x5];
	v13 =	vor.u32 $0xA0, v0;
	v15 =	vor.u32 $0xB0, v0;
	v17 =	vor.u32 $0x100, v0  }
0x7: {  	s4 =	simm.s32 $0x0;
	s3 =	stileid.u32;
	s8 =	srdreg.scid;
	v19 =	vor.u32 $0x110, v0;
	v21 =	vor.u32 $0x120, v0;
	v23 =	vor.u32 $0x130, v0  }
0x8: {  	s13 =	simm.s32 $0x4200;
	s14 =	simm.s32 $0x6200;
	s15 =	simm.s32 $0x8200;
	v25 =	vor.u32 $0x180, v0;
	v27 =	vor.u32 $0x190, v0;
	v29 =	vor.u32 $0x1A0, v0  }
0x9: {  	s16 =	simm.s32 $0xA200;
	s17 =	simm.s32 $0xC200;
	s18 =	simm.s32 $0xE200;
	v31 =	vor.u32 $0x1B0, v0;
	v32 =	vor.u32 $0x200, v0;
	v33 =	vor.u32 $0x210, v0  }
0xa: {  	s19 =	simm.s32 $0x1;
	s20 =	simm.s32 $0x10200;
	s21 =	simm.s32 $0x2;
	v34 =	vor.u32 $0x220, v0;
	v35 =	vor.u32 $0x230, v0;
	v36 =	vor.u32 $0x280, v0  }
0xb: {  	s22 =	simm.s32 $0x0;
	[smem:$0x7FF] =	sst s4;
	s9 =	sshll.u32 s3, $0xE;
	v37 =	vor.u32 $0x290, v0;
	v38 =	vor.u32 $0x2A0, v0;
	v39 =	vor.u32 $0x2B0, v0  }
0xc: {  	s8 =	sand.u32 $0x1, s8;
	s10 =	sshll.u32 s3, $0xA;
	v40 =	vor.u32 $0x300, v0;
	v41 =	vor.u32 $0x310, v0;
	v42 =	vor.u32 $0x320, v0;
	_ =	strace $0x80000047  }
0xd: {  	v43 =	vor.u32 $0x330, v0;
	v44 =	vor.u32 $0x380, v0;
	v45 =	vor.u32 $0x390, v0;
	s7 =	sadd.s32 s9, s7;
	s26 =	ssub.s32 $0x2, s8;
	s11 =	sshll.u32 s8, $0x9  }
0xe: {  	v46 =	vor.u32 $0x3A0, v0;
	v47 =	vor.u32 $0x3B0, v0;
	s8 =	sshll.u32 s8, $0xD;
	s9 =	simm.s32 $0x400;
	v2 =	vor.u32 $0x800, v1;
	s12 =	sshrl.u32 s26, $0x1  }
0xf: {  	v4 =	vor.u32 $0x1000, v1;
	v6 =	vor.u32 $0x1800, v1;
	v8 =	vor.u32 $0x2000, v1;
	s10 =	sor.u32 s11, s10;
	s7 =	sadd.s32 s8, s7;
	s8 =	simm.s32 $0x3  }
0x10: {  	v10 =	vor.u32 $0x2800, v1;
	v12 =	vor.u32 $0x3000, v1;
	v14 =	vor.u32 $0x3800, v1;
	s11 =	simm.s32 $0x200;
	s28 =	ssub.s32 s26, s12;
	s29 =	sshrl.u32 s10, $0x3  }
0x11: {  	v16 =	vor.u32 $0x4000, v1;
	v18 =	vor.u32 $0x4800, v1;
	s30 =	sadd.s32 $0x1600, s7;
	s31 =	sadd.s32 $0x41600, s7;
	s10 =	simm.s32 $0x7A1400  }
0x12: {  	v20 =	vor.u32 $0x5000, v1;
	v22 =	vor.u32 $0x5800, v1;
	v24 =	vor.u32 $0x6000, v1;
	s12 =	simm.s32 $0x2200;
	s5 =	sadd.s32 s5, s29;
	[dreg:$0x6] =	wrdreg s30  }
0x13: {  	v26 =	vor.u32 $0x6800, v1;
	v28 =	vor.u32 $0x7000, v1;
	v30 =	vor.u32 $0x7800, v1;
	s6 =	sadd.s32 s6, s29;
	s7 =	smax.u32 s28, $0x1;
	[dreg:$0x7] =	wrdreg s31  }
.LBB2_1:
0x14: {  	[tilespmem:s4], [sflag:$0x3] =	stream.linear.gather [hbm4b:s5+s4], $0x200, $0x38;
	[tilespmem:$0x10600] =	vst v63  }
0x15: {  	_ =	swait.ge [sflag:s8], $0x200  }
0x16: {  	[sflag:s8] =	ssyncset.done $0x0  }
0x17: {  	[sflag:s8] =	ssyncadd.s32 $0xFFFFFE00  }
0x18: {  	v48 =	vld [tilespmem:$0x0];
	_ =	sdelay $0x4  }
0x19: {  	(v2sf) =	vpush v48, $0x0  }
0x1a: {  	(v2sf) =	vpush v48, $0x1  }
0x1b: {  	(v2sf) =	vpush v48, $0x2;
	_ =	sdelay $0x3  }
0x1c: {  	(v2sf) =	vpush v48, $0x3;
	_ =	sdelay $0x8  }
0x1d: {  	s23 =	spop (v2sf)  }
0x1e: {  	s23 =	sand.u32 $0xFFFFF80, s23;
	s24 =	spop (v2sf)  }
0x1f: {  	s23 =	sadd.s32 s0, s23;
	s28 =	sand.u32 $0xFFFFF80, s24;
	s29 =	spop (v2sf)  }
0x20: {  	[tilespmem:s11], [sflag:$0x1] =	stream.strided.gather [hbm4b:s23+s9], $0x2000, s10, s9, $0x38;
	[tilespmem:$0x10600] =	vst v63  }
0x21: {  	s23 =	sadd.s32 s0, s28;
	s30 =	sand.u32 $0xFFFFF80, s29  }
0x22: {  	[tilespmem:s12], [sflag:$0x1] =	stream.strided.gather [hbm4b:s23+s9], $0x2000, s10, s9, $0x38;
	[tilespmem:$0x10600] =	vst v63  }
0x23: {  	s31 =	spop (v2sf);
	s23 =	sadd.s32 s0, s30  }
0x24: {  	[tilespmem:s13], [sflag:$0x1] =	stream.strided.gather [hbm4b:s23+s9], $0x2000, s10, s9, $0x38;
	[tilespmem:$0x10600] =	vst v63  }
0x25: {  	s23 =	sand.u32 $0xFFFFF80, s31  }
0x26: {  	s23 =	sadd.s32 s0, s23  }
0x27: {  	[tilespmem:s14], [sflag:$0x1] =	stream.strided.gather [hbm4b:s23+s9], $0x2000, s10, s9, $0x38;
	[tilespmem:$0x10600] =	vst v63  }
0x28: {  	s24 =	simm.s32 $0x0;
	s23 =	simm.s32 $0x4  }
.LBB2_2:
0x29: {  	v48 =	vld [tilespmem:s23+$0x0];
	_ =	sdelay $0x4  }
0x2a: {  	(v2sf) =	vpush v48, $0x0;
	_ =	sdelay $0x1  }
0x2b: {  	(v2sf) =	vpush v48, $0x1;
	_ =	sdelay $0x2  }
0x2c: {  	(v2sf) =	vpush v48, $0x2;
	_ =	sdelay $0x2  }
0x2d: {  	(v2sf) =	vpush v48, $0x3;
	_ =	sdelay $0x6  }
0x2e: {  	s25 =	spop (v2sf)  }
0x2f: {  	s25 =	sand.u32 $0xFFFFF80, s25  }
0x30: {  	s30 =	spop (v2sf);
	s25 =	sadd.s32 s0, s25  }
0x31: {  	[tilespmem:s15], [sflag:$0x2] =	stream.strided.gather [hbm4b:s25+s9], $0x2000, s10, s9, $0x38;
	[tilespmem:$0x10600] =	vst v63  }
0x32: {  	s25 =	sand.u32 $0xFFFFF80, s30  }
0x33: {  	s31 =	spop (v2sf);
	s25 =	sadd.s32 s0, s25  }
0x34: {  	[tilespmem:s16], [sflag:$0x2] =	stream.strided.gather [hbm4b:s25+s9], $0x2000, s10, s9, $0x38;
	[tilespmem:$0x10600] =	vst v63  }
0x35: {  	s25 =	sand.u32 $0xFFFFF80, s31  }
0x36: {  	s26 =	spop (v2sf);
	s25 =	sadd.s32 s0, s25  }
0x37: {  	[tilespmem:s17], [sflag:$0x2] =	stream.strided.gather [hbm4b:s25+s9], $0x2000, s10, s9, $0x38;
	[tilespmem:$0x10600] =	vst v63  }
0x38: {  	s25 =	sand.u32 $0xFFFFF80, s26  }
0x39: {  	s25 =	sadd.s32 s0, s25  }
0x3a: {  	[tilespmem:s18], [sflag:$0x2] =	stream.strided.gather [hbm4b:s25+s9], $0x2000, s10, s9, $0x38;
	[tilespmem:$0x10600] =	vst v63  }
0x3b: {  	_ =	swait.ge [sflag:s19], $0x8000  }
0x3c: {  	[sflag:s19] =	ssyncset.done $0x0  }
0x3d: {  	[sflag:s19] =	ssyncadd.s32 $0xFFFF8000  }
0x3e: {  	v54 =	vld [tilespmem:s23+$0xFFFFFFFC];
	_ =	sdelay $0x4  }
0x3f: {  	(v2sf) =	vpush v54, $0x0;
	_ =	sdelay $0xe  }
0x40: {  	s28 =	spop (v2sf)  }
0x41: {  	s25 =	sand.u32 $0x7F, s28  }
0x42: {  	v49 =	vor.u32 s25, v1;
	_ =	sdelay $0x4  }
0x43: {  	v49 =	vld.idx.msk [tilespmem:v49+s11+$0x0], $0xffff  }
0x44: {  	v50 =	vor.u32 s25, v2  }
0x45: {  	(v2sf) =	vpush v54, $0x1;
	_ =	sdelay $0x2  }
0x46: {  	[tilespmem:v0+s20+$0x0] =	vst.idx.msk $0xffff, v49  }
0x47: {  	v49 =	vld.idx.msk [tilespmem:v50+s11+$0x0], $0xffff  }
0x48: {  	v55 =	vor.u32 s25, v4;
	_ =	sdelay $0x3  }
0x49: {  	[tilespmem:v3+s20+$0x0] =	vst.idx.msk $0xffff, v49  }
0x4a: {  	v49 =	vld.idx.msk [tilespmem:v55+s11+$0x0], $0xffff  }
0x4b: {  	v56 =	vor.u32 s25, v6;
	_ =	sdelay $0x3  }
0x4c: {  	s29 =	spop (v2sf);
	[tilespmem:v5+s20+$0x0] =	vst.idx.msk $0xffff, v49  }
0x4d: {  	s25 =	sand.u32 $0x7F, s29;
	v49 =	vld.idx.msk [tilespmem:v56+s11+$0x0], $0xffff  }
0x4e: {  	v57 =	vor.u32 s25, v8;
	_ =	sdelay $0x3  }
0x4f: {  	[tilespmem:v7+s20+$0x0] =	vst.idx.msk $0xffff, v49  }
0x50: {  	v49 =	vld.idx.msk [tilespmem:v57+s11+$0x0], $0xffff  }
0x51: {  	v58 =	vor.u32 s25, v10  }
0x52: {  	(v2sf) =	vpush v54, $0x2;
	_ =	sdelay $0x2  }
0x53: {  	[tilespmem:v9+s20+$0x0] =	vst.idx.msk $0xffff, v49  }
0x54: {  	v49 =	vld.idx.msk [tilespmem:v58+s11+$0x0], $0xffff  }
0x55: {  	v59 =	vor.u32 s25, v12;
	_ =	sdelay $0x3  }
0x56: {  	[tilespmem:v11+s20+$0x0] =	vst.idx.msk $0xffff, v49  }
0x57: {  	v49 =	vld.idx.msk [tilespmem:v59+s11+$0x0], $0xffff  }
0x58: {  	v60 =	vor.u32 s25, v14;
	_ =	sdelay $0x3  }
0x59: {  	s30 =	spop (v2sf);
	[tilespmem:v13+s20+$0x0] =	vst.idx.msk $0xffff, v49  }
0x5a: {  	s25 =	sand.u32 $0x7F, s30;
	v49 =	vld.idx.msk [tilespmem:v60+s11+$0x0], $0xffff  }
0x5b: {  	v61 =	vor.u32 s25, v16;
	_ =	sdelay $0x3  }
0x5c: {  	[tilespmem:v15+s20+$0x0] =	vst.idx.msk $0xffff, v49  }
0x5d: {  	v49 =	vld.idx.msk [tilespmem:v61+s11+$0x0], $0xffff  }
0x5e: {  	v62 =	vor.u32 s25, v18  }
0x5f: {  	(v2sf) =	vpush v54, $0x3;
	_ =	sdelay $0x2  }
0x60: {  	[tilespmem:v17+s20+$0x0] =	vst.idx.msk $0xffff, v49  }
0x61: {  	v63 =	vld.idx.msk [tilespmem:v62+s11+$0x0], $0xffff  }
0x62: {  	v52 =	vor.u32 s25, v20;
	_ =	sdelay $0x3  }
0x63: {  	[tilespmem:v19+s20+$0x0] =	vst.idx.msk $0xffff, v63  }
0x64: {  	v48 =	vld.idx.msk [tilespmem:v52+s11+$0x0], $0xffff  }
0x65: {  	v53 =	vor.u32 s25, v22;
	_ =	sdelay $0x3  }
0x66: {  	s31 =	spop (v2sf);
	[tilespmem:v21+s20+$0x0] =	vst.idx.msk $0xffff, v48  }
0x67: {  	s25 =	sand.u32 $0x7F, s31;
	v48 =	vld.idx.msk [tilespmem:v53+s11+$0x0], $0xffff  }
0x68: {  	v54 =	vor.u32 s25, v24;
	_ =	sdelay $0x3  }
0x69: {  	[tilespmem:v23+s20+$0x0] =	vst.idx.msk $0xffff, v48  }
0x6a: {  	v48 =	vld.idx.msk [tilespmem:v54+s11+$0x0], $0xffff  }
0x6b: {  	v55 =	vor.u32 s25, v26;
	_ =	sdelay $0x3  }
0x6c: {  	[tilespmem:v25+s20+$0x0] =	vst.idx.msk $0xffff, v48  }
0x6d: {  	v48 =	vld.idx.msk [tilespmem:v55+s11+$0x0], $0xffff  }
0x6e: {  	v56 =	vor.u32 s25, v28;
	_ =	sdelay $0x3  }
0x6f: {  	[tilespmem:v27+s20+$0x0] =	vst.idx.msk $0xffff, v48  }
0x70: {  	v48 =	vld.idx.msk [tilespmem:v56+s11+$0x0], $0xffff  }
0x71: {  	v57 =	vor.u32 s25, v30;
	_ =	sdelay $0x3  }
0x72: {  	[tilespmem:v29+s20+$0x0] =	vst.idx.msk $0xffff, v48  }
0x73: {  	v48 =	vld.idx.msk [tilespmem:v57+s11+$0x0], $0xffff;
	_ =	sdelay $0x4  }
0x74: {  	p0 =	seq.s32 s24, $0x1F80;
	[tilespmem:v31+s20+$0x0] =	vst.idx.msk $0xffff, v48  }
0x75: {  	v48 =	vld @!p0 [tilespmem:s23+$0x4];
	_ =	sdelay $0x4  }
0x76: {  	(v2sf) =	vpush @!p0 v48, $0x0;
	_ =	sdelay $0x3  }
0x77: {  	(v2sf) =	vpush @!p0 v48, $0x1;
	_ =	sdelay $0x3  }
0x78: {  	(v2sf) =	vpush @!p0 v48, $0x2;
	_ =	sdelay $0x3  }
0x79: {  	(v2sf) =	vpush @!p0 v48, $0x3;
	_ =	sdelay $0x2  }
0x7a: {  	s25 =	spop @!p0 (v2sf)  }
0x7b: {  	s26 =	simm.s32 @!p0 $0x400;
	s25 =	sand.u32 @!p0 $0xFFFFF80, s25  }
0x7c: {  	s28 =	simm.s32 @!p0 $0x7A1400;
	s29 =	simm.s32 @!p0 $0x200;
	s25 =	sadd.s32 @!p0 s0, s25  }
0x7d: {  	[tilespmem:s29], [sflag:$0x1] =	stream.strided.gather @!p0 [hbm4b:s25+s26], $0x2000, s28, s26, $0x38;
	[tilespmem:$0x10600] =	vst v63  }
0x7e: {  	s25 =	spop @!p0 (v2sf)  }
0x7f: {  	s25 =	sand.u32 @!p0 $0xFFFFF80, s25  }
0x80: {  	s29 =	simm.s32 @!p0 $0x2200;
	s25 =	sadd.s32 @!p0 s0, s25  }
0x81: {  	[tilespmem:s29], [sflag:$0x1] =	stream.strided.gather @!p0 [hbm4b:s25+s26], $0x2000, s28, s26, $0x38;
	[tilespmem:$0x10600] =	vst v63  }
0x82: {  	s25 =	spop @!p0 (v2sf)  }
0x83: {  	s25 =	sand.u32 @!p0 $0xFFFFF80, s25  }
0x84: {  	s29 =	simm.s32 @!p0 $0x4200;
	s25 =	sadd.s32 @!p0 s0, s25  }
0x85: {  	[tilespmem:s29], [sflag:$0x1] =	stream.strided.gather @!p0 [hbm4b:s25+s26], $0x2000, s28, s26, $0x38;
	[tilespmem:$0x10600] =	vst v63  }
0x86: {  	s25 =	spop @!p0 (v2sf)  }
0x87: {  	s25 =	sand.u32 @!p0 $0xFFFFF80, s25  }
0x88: {  	s29 =	simm.s32 @!p0 $0x6200;
	s25 =	sadd.s32 @!p0 s0, s25  }
0x89: {  	[tilespmem:s29], [sflag:$0x1] =	stream.strided.gather @!p0 [hbm4b:s25+s26], $0x2000, s28, s26, $0x38;
	[tilespmem:$0x10600] =	vst v63  }
0x8a: {  	_ =	swait.ge [sflag:s21], $0x8000  }
0x8b: {  	[sflag:s21] =	ssyncset.done $0x0  }
0x8c: {  	[sflag:s21] =	ssyncadd.s32 $0xFFFF8000  }
0x8d: {  	v58 =	vld [tilespmem:s23+$0x0];
	_ =	sdelay $0x4  }
0x8e: {  	(v2sf) =	vpush v58, $0x0;
	_ =	sdelay $0xe  }
0x8f: {  	s26 =	spop (v2sf)  }
0x90: {  	s25 =	sand.u32 $0x7F, s26  }
0x91: {  	v59 =	vor.u32 s25, v1;
	_ =	sdelay $0x4  }
0x92: {  	v49 =	vld.idx.msk [tilespmem:v59+s15+$0x0], $0xffff  }
0x93: {  	v60 =	vor.u32 s25, v2  }
0x94: {  	(v2sf) =	vpush v58, $0x1;
	_ =	sdelay $0x2  }
0x95: {  	[tilespmem:v32+s20+$0x0] =	vst.idx.msk $0xffff, v49  }
0x96: {  	v49 =	vld.idx.msk [tilespmem:v60+s15+$0x0], $0xffff  }
0x97: {  	v61 =	vor.u32 s25, v4;
	_ =	sdelay $0x3  }
0x98: {  	[tilespmem:v33+s20+$0x0] =	vst.idx.msk $0xffff, v49  }
0x99: {  	v49 =	vld.idx.msk [tilespmem:v61+s15+$0x0], $0xffff  }
0x9a: {  	v62 =	vor.u32 s25, v6;
	_ =	sdelay $0x3  }
0x9b: {  	s28 =	spop (v2sf);
	[tilespmem:v34+s20+$0x0] =	vst.idx.msk $0xffff, v49  }
0x9c: {  	s25 =	sand.u32 $0x7F, s28;
	v49 =	vld.idx.msk [tilespmem:v62+s15+$0x0], $0xffff  }
0x9d: {  	v63 =	vor.u32 s25, v8;
	_ =	sdelay $0x3  }
0x9e: {  	[tilespmem:v35+s20+$0x0] =	vst.idx.msk $0xffff, v49  }
0x9f: {  	v49 =	vld.idx.msk [tilespmem:v63+s15+$0x0], $0xffff  }
0xa0: {  	v52 =	vor.u32 s25, v10  }
0xa1: {  	(v2sf) =	vpush v58, $0x2;
	_ =	sdelay $0x2  }
0xa2: {  	[tilespmem:v36+s20+$0x0] =	vst.idx.msk $0xffff, v49  }
0xa3: {  	v49 =	vld.idx.msk [tilespmem:v52+s15+$0x0], $0xffff  }
0xa4: {  	v53 =	vor.u32 s25, v12;
	_ =	sdelay $0x3  }
0xa5: {  	[tilespmem:v37+s20+$0x0] =	vst.idx.msk $0xffff, v49  }
0xa6: {  	v49 =	vld.idx.msk [tilespmem:v53+s15+$0x0], $0xffff  }
0xa7: {  	v54 =	vor.u32 s25, v14;
	_ =	sdelay $0x3  }
0xa8: {  	s29 =	spop (v2sf);
	[tilespmem:v38+s20+$0x0] =	vst.idx.msk $0xffff, v49  }
0xa9: {  	s25 =	sand.u32 $0x7F, s29;
	v49 =	vld.idx.msk [tilespmem:v54+s15+$0x0], $0xffff  }
0xaa: {  	v55 =	vor.u32 s25, v16;
	_ =	sdelay $0x3  }
0xab: {  	[tilespmem:v39+s20+$0x0] =	vst.idx.msk $0xffff, v49  }
0xac: {  	v49 =	vld.idx.msk [tilespmem:v55+s15+$0x0], $0xffff  }
0xad: {  	v56 =	vor.u32 s25, v18  }
0xae: {  	(v2sf) =	vpush v58, $0x3;
	_ =	sdelay $0x2  }
0xaf: {  	[tilespmem:v40+s20+$0x0] =	vst.idx.msk $0xffff, v49  }
0xb0: {  	v57 =	vld.idx.msk [tilespmem:v56+s15+$0x0], $0xffff  }
0xb1: {  	v58 =	vor.u32 s25, v20;
	_ =	sdelay $0x3  }
0xb2: {  	[tilespmem:v41+s20+$0x0] =	vst.idx.msk $0xffff, v57  }
0xb3: {  	v48 =	vld.idx.msk [tilespmem:v58+s15+$0x0], $0xffff  }
0xb4: {  	v59 =	vor.u32 s25, v22;
	_ =	sdelay $0x3  }
0xb5: {  	s30 =	spop (v2sf);
	[tilespmem:v42+s20+$0x0] =	vst.idx.msk $0xffff, v48  }
0xb6: {  	s25 =	sand.u32 $0x7F, s30;
	v48 =	vld.idx.msk [tilespmem:v59+s15+$0x0], $0xffff  }
0xb7: {  	v60 =	vor.u32 s25, v24;
	_ =	sdelay $0x3  }
0xb8: {  	[tilespmem:v43+s20+$0x0] =	vst.idx.msk $0xffff, v48  }
0xb9: {  	v48 =	vld.idx.msk [tilespmem:v60+s15+$0x0], $0xffff  }
0xba: {  	v61 =	vor.u32 s25, v26;
	_ =	sdelay $0x3  }
0xbb: {  	[tilespmem:v44+s20+$0x0] =	vst.idx.msk $0xffff, v48  }
0xbc: {  	v48 =	vld.idx.msk [tilespmem:v61+s15+$0x0], $0xffff  }
0xbd: {  	v62 =	vor.u32 s25, v28;
	_ =	sdelay $0x3  }
0xbe: {  	[tilespmem:v45+s20+$0x0] =	vst.idx.msk $0xffff, v48  }
0xbf: {  	v48 =	vld.idx.msk [tilespmem:v62+s15+$0x0], $0xffff  }
0xc0: {  	v63 =	vor.u32 s25, v30;
	_ =	sdelay $0x3  }
0xc1: {  	[tilespmem:v46+s20+$0x0] =	vst.idx.msk $0xffff, v48  }
0xc2: {  	v48 =	vld.idx.msk [tilespmem:v63+s15+$0x0], $0xffff;
	_ =	sdelay $0x1  }
0xc3: {  	s31 =	rddreg [dreg:$0x6]  }
0xc4: {  	s25 =	sadd.s32 s24, s31;
	s24 =	sadd.s32 $0x80, s24  }
0xc5: {  	p0 =	sne.s32 s24, $0x2000  }
.Ltmp0:
0xc6: {  	[tilespmem:v47+s20+$0x0] =	vst.idx.msk $0xffff, v48;
	(pc) =	sbr.rel @p0 .LBB2_2-.Ltmp0, $4  }
0xc7: {  	[hbm4b:s25+s4] =	stream.linear.scatter [tilespmem:s20], [sflag:$0x3], $0x400, $0x38;
	[tilespmem:$0x10600] =	vst v63  }
0xc8: {  	_ =	swait.ge [sflag:s8], $0x400  }
0xc9: {  	[sflag:s8] =	ssyncset.done $0x0  }
0xca: {  	s23 =	sadd.s32 $0x8, s23;
	[sflag:s8] =	ssyncadd.s32 $0xFFFFFC00  }
0xcb: {  	s23 =	simm.s32 $0x0  }
0xcc: {  	[tilespmem:s23], [sflag:$0x3] =	stream.linear.gather [hbm4b:s6+s23], $0x200, $0x38;
	[tilespmem:$0x10600] =	vst v63  }
0xcd: {  	_ =	swait.ge [sflag:s8], $0x200  }
0xce: {  	[sflag:s8] =	ssyncset.done $0x0  }
0xcf: {  	[sflag:s8] =	ssyncadd.s32 $0xFFFFFE00  }
0xd0: {  	v48 =	vld [tilespmem:$0x0];
	_ =	sdelay $0x4  }
0xd1: {  	(v2sf) =	vpush v48, $0x0;
	_ =	sdelay $0x1  }
0xd2: {  	(v2sf) =	vpush v48, $0x1;
	_ =	sdelay $0x2  }
0xd3: {  	(v2sf) =	vpush v48, $0x2;
	_ =	sdelay $0x2  }
0xd4: {  	(v2sf) =	vpush v48, $0x3;
	_ =	sdelay $0x6  }
0xd5: {  	s24 =	spop (v2sf)  }
0xd6: {  	s24 =	sand.u32 $0xFFFFF80, s24  }
0xd7: {  	s29 =	spop (v2sf);
	s24 =	sadd.s32 s2, s24  }
0xd8: {  	[tilespmem:s11], [sflag:$0x1] =	stream.strided.gather [hbm4b:s24+s9], $0x2000, s10, s9, $0x38;
	[tilespmem:$0x10600] =	vst v63  }
0xd9: {  	s24 =	sand.u32 $0xFFFFF80, s29  }
0xda: {  	s30 =	spop (v2sf);
	s24 =	sadd.s32 s2, s24  }
0xdb: {  	[tilespmem:s12], [sflag:$0x1] =	stream.strided.gather [hbm4b:s24+s9], $0x2000, s10, s9, $0x38;
	[tilespmem:$0x10600] =	vst v63  }
0xdc: {  	s24 =	sand.u32 $0xFFFFF80, s30  }
0xdd: {  	s31 =	spop (v2sf);
	s24 =	sadd.s32 s2, s24  }
0xde: {  	[tilespmem:s13], [sflag:$0x1] =	stream.strided.gather [hbm4b:s24+s9], $0x2000, s10, s9, $0x38;
	[tilespmem:$0x10600] =	vst v63  }
0xdf: {  	s24 =	sand.u32 $0xFFFFF80, s31  }
0xe0: {  	s24 =	sadd.s32 s2, s24  }
0xe1: {  	[tilespmem:s14], [sflag:$0x1] =	stream.strided.gather [hbm4b:s24+s9], $0x2000, s10, s9, $0x38;
	[tilespmem:$0x10600] =	vst v63  }
0xe2: {  	s24 =	simm.s32 $0x4  }
.LBB2_4:
0xe3: {  	v48 =	vld [tilespmem:s24+$0x0];
	_ =	sdelay $0x4  }
0xe4: {  	(v2sf) =	vpush v48, $0x0;
	_ =	sdelay $0x1  }
0xe5: {  	(v2sf) =	vpush v48, $0x1;
	_ =	sdelay $0x2  }
0xe6: {  	(v2sf) =	vpush v48, $0x2;
	_ =	sdelay $0x2  }
0xe7: {  	(v2sf) =	vpush v48, $0x3;
	_ =	sdelay $0x6  }
0xe8: {  	s25 =	spop (v2sf)  }
0xe9: {  	s25 =	sand.u32 $0xFFFFF80, s25  }
0xea: {  	s30 =	spop (v2sf);
	s25 =	sadd.s32 s2, s25  }
0xeb: {  	[tilespmem:s15], [sflag:$0x2] =	stream.strided.gather [hbm4b:s25+s9], $0x2000, s10, s9, $0x38;
	[tilespmem:$0x10600] =	vst v63  }
0xec: {  	s25 =	sand.u32 $0xFFFFF80, s30  }
0xed: {  	s31 =	spop (v2sf);
	s25 =	sadd.s32 s2, s25  }
0xee: {  	[tilespmem:s16], [sflag:$0x2] =	stream.strided.gather [hbm4b:s25+s9], $0x2000, s10, s9, $0x38;
	[tilespmem:$0x10600] =	vst v63  }
0xef: {  	s25 =	sand.u32 $0xFFFFF80, s31  }
0xf0: {  	s26 =	spop (v2sf);
	s25 =	sadd.s32 s2, s25  }
0xf1: {  	[tilespmem:s17], [sflag:$0x2] =	stream.strided.gather [hbm4b:s25+s9], $0x2000, s10, s9, $0x38;
	[tilespmem:$0x10600] =	vst v63  }
0xf2: {  	s25 =	sand.u32 $0xFFFFF80, s26  }
0xf3: {  	s25 =	sadd.s32 s2, s25  }
0xf4: {  	[tilespmem:s18], [sflag:$0x2] =	stream.strided.gather [hbm4b:s25+s9], $0x2000, s10, s9, $0x38;
	[tilespmem:$0x10600] =	vst v63  }
0xf5: {  	_ =	swait.ge [sflag:s19], $0x8000  }
0xf6: {  	[sflag:s19] =	ssyncset.done $0x0  }
0xf7: {  	[sflag:s19] =	ssyncadd.s32 $0xFFFF8000  }
0xf8: {  	v54 =	vld [tilespmem:s24+$0xFFFFFFFC];
	_ =	sdelay $0x4  }
0xf9: {  	(v2sf) =	vpush v54, $0x0;
	_ =	sdelay $0xe  }
0xfa: {  	s28 =	spop (v2sf)  }
0xfb: {  	s25 =	sand.u32 $0x7F, s28  }
0xfc: {  	v49 =	vor.u32 s25, v1;
	_ =	sdelay $0x4  }
0xfd: {  	v49 =	vld.idx.msk [tilespmem:v49+s11+$0x0], $0xffff  }
0xfe: {  	v50 =	vor.u32 s25, v2  }
0xff: {  	(v2sf) =	vpush v54, $0x1;
	_ =	sdelay $0x2  }
0x100: {  	[tilespmem:v0+s20+$0x0] =	vst.idx.msk $0xffff, v49  }
0x101: {  	v49 =	vld.idx.msk [tilespmem:v50+s11+$0x0], $0xffff  }
0x102: {  	v55 =	vor.u32 s25, v4;
	_ =	sdelay $0x3  }
0x103: {  	[tilespmem:v3+s20+$0x0] =	vst.idx.msk $0xffff, v49  }
0x104: {  	v49 =	vld.idx.msk [tilespmem:v55+s11+$0x0], $0xffff  }
0x105: {  	v56 =	vor.u32 s25, v6;
	_ =	sdelay $0x3  }
0x106: {  	s29 =	spop (v2sf);
	[tilespmem:v5+s20+$0x0] =	vst.idx.msk $0xffff, v49  }
0x107: {  	s25 =	sand.u32 $0x7F, s29;
	v49 =	vld.idx.msk [tilespmem:v56+s11+$0x0], $0xffff  }
0x108: {  	v57 =	vor.u32 s25, v8;
	_ =	sdelay $0x3  }
0x109: {  	[tilespmem:v7+s20+$0x0] =	vst.idx.msk $0xffff, v49  }
0x10a: {  	v49 =	vld.idx.msk [tilespmem:v57+s11+$0x0], $0xffff  }
0x10b: {  	v58 =	vor.u32 s25, v10  }
0x10c: {  	(v2sf) =	vpush v54, $0x2;
	_ =	sdelay $0x2  }
0x10d: {  	[tilespmem:v9+s20+$0x0] =	vst.idx.msk $0xffff, v49  }
0x10e: {  	v49 =	vld.idx.msk [tilespmem:v58+s11+$0x0], $0xffff  }
0x10f: {  	v59 =	vor.u32 s25, v12;
	_ =	sdelay $0x3  }
0x110: {  	[tilespmem:v11+s20+$0x0] =	vst.idx.msk $0xffff, v49  }
0x111: {  	v49 =	vld.idx.msk [tilespmem:v59+s11+$0x0], $0xffff  }
0x112: {  	v60 =	vor.u32 s25, v14;
	_ =	sdelay $0x3  }
0x113: {  	s30 =	spop (v2sf);
	[tilespmem:v13+s20+$0x0] =	vst.idx.msk $0xffff, v49  }
0x114: {  	s25 =	sand.u32 $0x7F, s30;
	v49 =	vld.idx.msk [tilespmem:v60+s11+$0x0], $0xffff  }
0x115: {  	v61 =	vor.u32 s25, v16;
	_ =	sdelay $0x3  }
0x116: {  	[tilespmem:v15+s20+$0x0] =	vst.idx.msk $0xffff, v49  }
0x117: {  	v49 =	vld.idx.msk [tilespmem:v61+s11+$0x0], $0xffff  }
0x118: {  	v62 =	vor.u32 s25, v18  }
0x119: {  	(v2sf) =	vpush v54, $0x3;
	_ =	sdelay $0x2  }
0x11a: {  	[tilespmem:v17+s20+$0x0] =	vst.idx.msk $0xffff, v49  }
0x11b: {  	v63 =	vld.idx.msk [tilespmem:v62+s11+$0x0], $0xffff  }
0x11c: {  	v52 =	vor.u32 s25, v20;
	_ =	sdelay $0x3  }
0x11d: {  	[tilespmem:v19+s20+$0x0] =	vst.idx.msk $0xffff, v63  }
0x11e: {  	v48 =	vld.idx.msk [tilespmem:v52+s11+$0x0], $0xffff  }
0x11f: {  	v53 =	vor.u32 s25, v22;
	_ =	sdelay $0x3  }
0x120: {  	s31 =	spop (v2sf);
	[tilespmem:v21+s20+$0x0] =	vst.idx.msk $0xffff, v48  }
0x121: {  	s25 =	sand.u32 $0x7F, s31;
	v48 =	vld.idx.msk [tilespmem:v53+s11+$0x0], $0xffff  }
0x122: {  	v54 =	vor.u32 s25, v24;
	_ =	sdelay $0x3  }
0x123: {  	[tilespmem:v23+s20+$0x0] =	vst.idx.msk $0xffff, v48  }
0x124: {  	v48 =	vld.idx.msk [tilespmem:v54+s11+$0x0], $0xffff  }
0x125: {  	v55 =	vor.u32 s25, v26;
	_ =	sdelay $0x3  }
0x126: {  	[tilespmem:v25+s20+$0x0] =	vst.idx.msk $0xffff, v48  }
0x127: {  	v48 =	vld.idx.msk [tilespmem:v55+s11+$0x0], $0xffff  }
0x128: {  	v56 =	vor.u32 s25, v28;
	_ =	sdelay $0x3  }
0x129: {  	[tilespmem:v27+s20+$0x0] =	vst.idx.msk $0xffff, v48  }
0x12a: {  	v48 =	vld.idx.msk [tilespmem:v56+s11+$0x0], $0xffff  }
0x12b: {  	v57 =	vor.u32 s25, v30;
	_ =	sdelay $0x3  }
0x12c: {  	[tilespmem:v29+s20+$0x0] =	vst.idx.msk $0xffff, v48  }
0x12d: {  	v48 =	vld.idx.msk [tilespmem:v57+s11+$0x0], $0xffff;
	_ =	sdelay $0x4  }
0x12e: {  	p0 =	seq.s32 s23, $0x1F80;
	[tilespmem:v31+s20+$0x0] =	vst.idx.msk $0xffff, v48  }
0x12f: {  	v48 =	vld @!p0 [tilespmem:s24+$0x4];
	_ =	sdelay $0x4  }
0x130: {  	(v2sf) =	vpush @!p0 v48, $0x0;
	_ =	sdelay $0x3  }
0x131: {  	(v2sf) =	vpush @!p0 v48, $0x1;
	_ =	sdelay $0x3  }
0x132: {  	(v2sf) =	vpush @!p0 v48, $0x2;
	_ =	sdelay $0x3  }
0x133: {  	(v2sf) =	vpush @!p0 v48, $0x3;
	_ =	sdelay $0x2  }
0x134: {  	s25 =	spop @!p0 (v2sf)  }
0x135: {  	s26 =	simm.s32 @!p0 $0x400;
	s25 =	sand.u32 @!p0 $0xFFFFF80, s25  }
0x136: {  	s28 =	simm.s32 @!p0 $0x7A1400;
	s29 =	simm.s32 @!p0 $0x200;
	s25 =	sadd.s32 @!p0 s2, s25  }
0x137: {  	[tilespmem:s29], [sflag:$0x1] =	stream.strided.gather @!p0 [hbm4b:s25+s26], $0x2000, s28, s26, $0x38;
	[tilespmem:$0x10600] =	vst v63  }
0x138: {  	s25 =	spop @!p0 (v2sf)  }
0x139: {  	s25 =	sand.u32 @!p0 $0xFFFFF80, s25  }
0x13a: {  	s29 =	simm.s32 @!p0 $0x2200;
	s25 =	sadd.s32 @!p0 s2, s25  }
0x13b: {  	[tilespmem:s29], [sflag:$0x1] =	stream.strided.gather @!p0 [hbm4b:s25+s26], $0x2000, s28, s26, $0x38;
	[tilespmem:$0x10600] =	vst v63  }
0x13c: {  	s25 =	spop @!p0 (v2sf)  }
0x13d: {  	s25 =	sand.u32 @!p0 $0xFFFFF80, s25  }
0x13e: {  	s29 =	simm.s32 @!p0 $0x4200;
	s25 =	sadd.s32 @!p0 s2, s25  }
0x13f: {  	[tilespmem:s29], [sflag:$0x1] =	stream.strided.gather @!p0 [hbm4b:s25+s26], $0x2000, s28, s26, $0x38;
	[tilespmem:$0x10600] =	vst v63  }
0x140: {  	s25 =	spop @!p0 (v2sf)  }
0x141: {  	s25 =	sand.u32 @!p0 $0xFFFFF80, s25  }
0x142: {  	s29 =	simm.s32 @!p0 $0x6200;
	s25 =	sadd.s32 @!p0 s2, s25  }
0x143: {  	[tilespmem:s29], [sflag:$0x1] =	stream.strided.gather @!p0 [hbm4b:s25+s26], $0x2000, s28, s26, $0x38;
	[tilespmem:$0x10600] =	vst v63  }
0x144: {  	_ =	swait.ge [sflag:s21], $0x8000  }
0x145: {  	[sflag:s21] =	ssyncset.done $0x0  }
0x146: {  	[sflag:s21] =	ssyncadd.s32 $0xFFFF8000  }
0x147: {  	v58 =	vld [tilespmem:s24+$0x0];
	_ =	sdelay $0x4  }
0x148: {  	(v2sf) =	vpush v58, $0x0;
	_ =	sdelay $0xe  }
0x149: {  	s26 =	spop (v2sf)  }
0x14a: {  	s25 =	sand.u32 $0x7F, s26  }
0x14b: {  	v59 =	vor.u32 s25, v1;
	_ =	sdelay $0x4  }
0x14c: {  	v49 =	vld.idx.msk [tilespmem:v59+s15+$0x0], $0xffff  }
0x14d: {  	v60 =	vor.u32 s25, v2  }
0x14e: {  	(v2sf) =	vpush v58, $0x1;
	_ =	sdelay $0x2  }
0x14f: {  	[tilespmem:v32+s20+$0x0] =	vst.idx.msk $0xffff, v49  }
0x150: {  	v49 =	vld.idx.msk [tilespmem:v60+s15+$0x0], $0xffff  }
0x151: {  	v61 =	vor.u32 s25, v4;
	_ =	sdelay $0x3  }
0x152: {  	[tilespmem:v33+s20+$0x0] =	vst.idx.msk $0xffff, v49  }
0x153: {  	v49 =	vld.idx.msk [tilespmem:v61+s15+$0x0], $0xffff  }
0x154: {  	v62 =	vor.u32 s25, v6;
	_ =	sdelay $0x3  }
0x155: {  	s28 =	spop (v2sf);
	[tilespmem:v34+s20+$0x0] =	vst.idx.msk $0xffff, v49  }
0x156: {  	s25 =	sand.u32 $0x7F, s28;
	v49 =	vld.idx.msk [tilespmem:v62+s15+$0x0], $0xffff  }
0x157: {  	v63 =	vor.u32 s25, v8;
	_ =	sdelay $0x3  }
0x158: {  	[tilespmem:v35+s20+$0x0] =	vst.idx.msk $0xffff, v49  }
0x159: {  	v49 =	vld.idx.msk [tilespmem:v63+s15+$0x0], $0xffff  }
0x15a: {  	v52 =	vor.u32 s25, v10  }
0x15b: {  	(v2sf) =	vpush v58, $0x2;
	_ =	sdelay $0x2  }
0x15c: {  	[tilespmem:v36+s20+$0x0] =	vst.idx.msk $0xffff, v49  }
0x15d: {  	v49 =	vld.idx.msk [tilespmem:v52+s15+$0x0], $0xffff  }
0x15e: {  	v53 =	vor.u32 s25, v12;
	_ =	sdelay $0x3  }
0x15f: {  	[tilespmem:v37+s20+$0x0] =	vst.idx.msk $0xffff, v49  }
0x160: {  	v49 =	vld.idx.msk [tilespmem:v53+s15+$0x0], $0xffff  }
0x161: {  	v54 =	vor.u32 s25, v14;
	_ =	sdelay $0x3  }
0x162: {  	s29 =	spop (v2sf);
	[tilespmem:v38+s20+$0x0] =	vst.idx.msk $0xffff, v49  }
0x163: {  	s25 =	sand.u32 $0x7F, s29;
	v49 =	vld.idx.msk [tilespmem:v54+s15+$0x0], $0xffff  }
0x164: {  	v55 =	vor.u32 s25, v16;
	_ =	sdelay $0x3  }
0x165: {  	[tilespmem:v39+s20+$0x0] =	vst.idx.msk $0xffff, v49  }
0x166: {  	v49 =	vld.idx.msk [tilespmem:v55+s15+$0x0], $0xffff  }
0x167: {  	v56 =	vor.u32 s25, v18  }
0x168: {  	(v2sf) =	vpush v58, $0x3;
	_ =	sdelay $0x2  }
0x169: {  	[tilespmem:v40+s20+$0x0] =	vst.idx.msk $0xffff, v49  }
0x16a: {  	v57 =	vld.idx.msk [tilespmem:v56+s15+$0x0], $0xffff  }
0x16b: {  	v58 =	vor.u32 s25, v20;
	_ =	sdelay $0x3  }
0x16c: {  	[tilespmem:v41+s20+$0x0] =	vst.idx.msk $0xffff, v57  }
0x16d: {  	v48 =	vld.idx.msk [tilespmem:v58+s15+$0x0], $0xffff  }
0x16e: {  	v59 =	vor.u32 s25, v22;
	_ =	sdelay $0x3  }
0x16f: {  	s30 =	spop (v2sf);
	[tilespmem:v42+s20+$0x0] =	vst.idx.msk $0xffff, v48  }
0x170: {  	s25 =	sand.u32 $0x7F, s30;
	v48 =	vld.idx.msk [tilespmem:v59+s15+$0x0], $0xffff  }
0x171: {  	v60 =	vor.u32 s25, v24;
	_ =	sdelay $0x3  }
0x172: {  	[tilespmem:v43+s20+$0x0] =	vst.idx.msk $0xffff, v48  }
0x173: {  	v48 =	vld.idx.msk [tilespmem:v60+s15+$0x0], $0xffff  }
0x174: {  	v61 =	vor.u32 s25, v26;
	_ =	sdelay $0x3  }
0x175: {  	[tilespmem:v44+s20+$0x0] =	vst.idx.msk $0xffff, v48  }
0x176: {  	v48 =	vld.idx.msk [tilespmem:v61+s15+$0x0], $0xffff  }
0x177: {  	v62 =	vor.u32 s25, v28;
	_ =	sdelay $0x3  }
0x178: {  	[tilespmem:v45+s20+$0x0] =	vst.idx.msk $0xffff, v48  }
0x179: {  	v48 =	vld.idx.msk [tilespmem:v62+s15+$0x0], $0xffff  }
0x17a: {  	v63 =	vor.u32 s25, v30;
	_ =	sdelay $0x3  }
0x17b: {  	[tilespmem:v46+s20+$0x0] =	vst.idx.msk $0xffff, v48  }
0x17c: {  	v48 =	vld.idx.msk [tilespmem:v63+s15+$0x0], $0xffff;
	_ =	sdelay $0x1  }
0x17d: {  	s31 =	rddreg [dreg:$0x7]  }
0x17e: {  	s25 =	sadd.s32 s23, s31;
	s23 =	sadd.s32 $0x80, s23  }
0x17f: {  	p0 =	sne.s32 s23, $0x2000  }
.Ltmp1:
0x180: {  	[tilespmem:v47+s20+$0x0] =	vst.idx.msk $0xffff, v48;
	(pc) =	sbr.rel @p0 .LBB2_4-.Ltmp1, $4  }
0x181: {  	[hbm4b:s25+s4] =	stream.linear.scatter [tilespmem:s20], [sflag:$0x3], $0x400, $0x38;
	[tilespmem:$0x10600] =	vst v63  }
0x182: {  	_ =	swait.ge [sflag:s8], $0x400  }
0x183: {  	[sflag:s8] =	ssyncset.done $0x0  }
0x184: {  	s24 =	sadd.s32 $0x8, s24;
	[sflag:s8] =	ssyncadd.s32 $0xFFFFFC00  }
0x185: {  	s22 =	sadd.s32 $0x1, s22  }
0x186: {  	p0 =	sne.s32 s22, s7  }
.Ltmp2:
0x187: {  	_ = 	snop;
	(pc) =	sbr.rel @p0 .LBB2_1-.Ltmp2, $1  }
0x188: {  	_ =	sdelay $0x3  }
0x189: {  	_ =	sfence.sel $0x180000  }
0x18a: {  	[bflag:$0x0] =	sbarrier.arrive $0xFFFF  }
0x18b: {  	p0 =	sne.s32 s3, $0x0;
	_ =	strace $0x90000047  }
0x18c: {  	s0 =	sadd.s32 @!p0 $0x100000, s1;
	[bflag:$0x2] =	sbarrier.arrive $0xFFFF  }
0x18d: {  	[sflag:s0] =	ssyncadd.tile.s32 @!p0 $0x1;
	_ =	shalt  }
.Lfunc_end2:
_tile_overlayer_lowered:
.L_overlay_start_2:
0x18e: {  	(tag) =	ssettag $0x2  }
0x18f: {  	s0 =	rddreg [dreg:$0x0];
	s2 =	stileid.u32  }
0x190: {  	s1 =	rddreg [dreg:$0x1];
	p0 =	sne.s32 s2, $0x0  }
0x191: {  	s3 =	rddreg [dreg:$0x2];
	[bflag:$0x3] =	sbarrier.arrive $0xFFFF;
	s2 =	simm.s32 @!p0 $0x1C03  }
0x192: {  	[timem:s3], [sflag:s2] =	dma.local @!p0 [hbm:s0], s1  }
0x193: {  	s0 =	simm.s32 @!p0 $0x3  }
0x194: {  	_ =	swait.ge @!p0 [sflag:s0], s1  }
0x195: {  	s1 =	ssub.s32 @!p0 $0x0, s1;
	[sflag:s0] =	ssyncset.done @!p0 $0x0  }
0x196: {  	[sflag:s0] =	ssyncadd.s32 @!p0 s1  }
0x197: {  	[bflag:$0x3] =	sbarrier.arrive $0xFFFF  }
0x198: {  	_ =	shalt  }

</sc_bundles>
